<compile_context>
chip_gen: v7x
topology: tpu7x:2x2x1
jax: 0.10.2.dev20260603
libtpu: 0.0.44.dev20260713+nightly
codegen_flags: <defaults>
</compile_context>

<pallas_src>
import functools

import jax
import jax.numpy as jnp
from jax import lax
from jax.experimental import pallas as pl
from jax.experimental.pallas import tpu as pltpu
from jax.experimental.pallas import tpu_sc as plsc

_CHUNK = 128
_K = 4


def kernel(indices, emb_table):
    bsz, hist = indices.shape
    vocab, dim = emb_table.shape
    n = bsz * hist

    mesh = plsc.VectorSubcoreMesh(core_axis_name="c", subcore_axis_name="s")
    nc, ns = mesh.num_cores, mesh.num_subcores
    nw = nc * ns
    n_chunks = n // (nw * _CHUNK)
    assert n == nw * n_chunks * _CHUNK, (n, nw, n_chunks)
    n_groups = n_chunks // _K
    assert n_chunks == n_groups * _K and n_groups % 2 == 0, (n_chunks, n_groups)
    rows_per_w = n_chunks * _CHUNK
    grp_rows = _K * _CHUNK

    idx3 = indices.reshape(nw, n_chunks, _CHUNK).astype(jnp.int32)

    @functools.partial(
        pl.kernel,
        out_type=jax.ShapeDtypeStruct((nw, rows_per_w, dim), jnp.float32),
        mesh=mesh,
        scratch_types=[
            pltpu.VMEM((n_chunks, _CHUNK), jnp.int32),
            pltpu.VMEM((2, grp_rows, dim), jnp.float32),
            pltpu.SemaphoreType.DMA,
            pltpu.SemaphoreType.DMA,
            pltpu.SemaphoreType.DMA,
            pltpu.SemaphoreType.DMA,
        ],
        compiler_params=pltpu.CompilerParams(use_tc_tiling_on_sc=False),
    )
    def emb_gather(table_hbm, idx_hbm, out_hbm, idx_v, rows_v, sg0, sg1, ss0, ss1):
        wid = lax.axis_index("s") * nc + lax.axis_index("c")
        sem_g = (sg0, sg1)
        sem_s = (ss0, ss1)
        pltpu.sync_copy(idx_hbm.at[wid], idx_v)

        def fire_gathers(grp, half):
            for b in range(_K):
                c = grp * _K + b
                pltpu.async_copy(
                    table_hbm.at[idx_v.at[c]],
                    rows_v.at[half, pl.ds(b * _CHUNK, _CHUNK)],
                    sem_g[half],
                )

        def drain_gathers(grp, half):
            for b in range(_K):
                c = grp * _K + b
                pltpu.make_async_copy(
                    table_hbm.at[idx_v.at[c]],
                    rows_v.at[half, pl.ds(b * _CHUNK, _CHUNK)],
                    sem_g[half],
                ).wait()

        def start_store(grp, half):
            pltpu.async_copy(
                rows_v.at[half],
                out_hbm.at[wid, pl.ds(grp * grp_rows, grp_rows)],
                sem_s[half],
            )

        def wait_store(grp, half):
            pltpu.make_async_copy(
                rows_v.at[half],
                out_hbm.at[wid, pl.ds(grp * grp_rows, grp_rows)],
                sem_s[half],
            ).wait()

        fire_gathers(0, 0)

        @pl.loop(0, n_groups, step=2)
        def _grp(g):
            for sel in (0, 1):
                gg = g + sel
                nxt = gg + 1
                other = 1 - sel

                @pl.when(nxt < n_groups)
                def _fire_next():
                    @pl.when(nxt >= 2)
                    def _wait_prev_store():
                        wait_store(nxt - 2, other)

                    fire_gathers(nxt, other)

                drain_gathers(gg, sel)
                start_store(gg, sel)

        wait_store(n_groups - 2, 0)
        wait_store(n_groups - 1, 1)

    out = emb_gather(emb_table, idx3)
    return out.reshape(bsz, hist, dim)

# --- scband reference (transcript-rebuilt; emitter-appended) ---
"""Pipeline reference for scband-w2vloader-81088982548817 (READ-ONLY COPY).

The authoritative reference and input builder live on the scoring server;
editing this copy changes nothing except your own understanding.
"""

import jax, jax.numpy as jnp
import numpy as np

VOCAB = 1000000
DIM = 64
BATCH = 16384
HIST = 50

def setup_inputs(seed: int = 0) -> dict:
    key = jax.random.key(seed)
    k1, k2 = jax.random.split(key)
    indices = jax.random.randint(k1, (BATCH, HIST), 0, VOCAB, dtype=jnp.int64 if jax.config.jax_enable_x64 else jnp.int32)
    emb_table = jax.random.normal(k2, (VOCAB, DIM), dtype=jnp.float32)
    return {"indices": indices, "emb_table": emb_table}

def reference(indices, emb_table):
    # Faithful to w2vloader.load_wordembed for a 2D wordlist: nn.Embedding lookup
    # (string->index mapping is data preprocessing; the tensor op is a row gather).
    out = jnp.take(emb_table, indices, axis=0)
    return out

if __name__ == "__main__":
    import jax
    _d = setup_inputs()
    print(jax.jit(kernel)(*tuple(_d.values())))

</pallas_src>

<mosaic_0001>
#map = affine_map<(d0, d1) -> (0, 0)>
#map1 = affine_map<(d0, d1) -> (0, 0, 0)>
module attributes {stable_mosaic.version = 14 : i64} {
  func.func @emb_gather(%arg0: i32, %arg1: i32, %arg2: memref<1000000x64xf32, #tpu.memory_space<hbm>>, %arg3: memref<32x200x128xi32, #tpu.memory_space<hbm>>, %arg4: memref<32x25600x64xf32, #tpu.memory_space<hbm>>, %arg5: memref<200x128xi32, #tpu.memory_space<vmem>>, %arg6: memref<2x512x64xf32, #tpu.memory_space<vmem>>, %arg7: memref<!tpu.dma_semaphore, #tpu.memory_space<semaphore_mem>>, %arg8: memref<!tpu.dma_semaphore, #tpu.memory_space<semaphore_mem>>, %arg9: memref<!tpu.dma_semaphore, #tpu.memory_space<semaphore_mem>>, %arg10: memref<!tpu.dma_semaphore, #tpu.memory_space<semaphore_mem>>) attributes {dimension_semantics = [#tpu.dimension_semantics<core_parallel>, #tpu.dimension_semantics<subcore_parallel>], iteration_bounds = array<i64: 2, 16>, scalar_prefetch = 0 : i64, scratch_operands = 6 : i64, tpu.core_type = #tpu.core_type<sc_vector_subcore>, window_params = [{transform_indices = #map}, {transform_indices = #map1}, {transform_indices = #map1}]} {
    %mul3A = arith.constant 2 : i32
    %mul3A_0 = arith.muli %arg1, %mul3A : i32
    %add3A = arith.addi %mul3A_0, %arg0 : i32
    "tpu.region"() ({
      %run_scoped3A = tpu.sem_alloc : memref<!tpu.dma_semaphore, #tpu.memory_space<semaphore_mem>>
      %dma_start3A_85 = arith.constant 0 : i32
      %dma_start3A_86 = arith.constant 0 : i32
      %dma_start3A_87 = tpu.memref_slice %arg3[%add3A, %dma_start3A_85, %dma_start3A_86] : memref<32x200x128xi32, #tpu.memory_space<hbm>> -> memref<1x200x128xi32, #tpu.memory_space<hbm>>
      %dma_start3A_88 = tpu.memref_squeeze %dma_start3A_87 : memref<1x200x128xi32, #tpu.memory_space<hbm>> -> memref<200x128xi32, #tpu.memory_space<hbm>>
      %dma_start3A_89 = arith.constant 0 : i32
      %dma_start3A_90 = arith.constant 0 : i32
      %dma_start3A_91 = tpu.memref_slice %arg3[%add3A, %dma_start3A_89, %dma_start3A_90] : memref<32x200x128xi32, #tpu.memory_space<hbm>> -> memref<1x200x128xi32, #tpu.memory_space<hbm>>
      %dma_start3A_92 = tpu.memref_squeeze %dma_start3A_91 : memref<1x200x128xi32, #tpu.memory_space<hbm>> -> memref<200x128xi32, #tpu.memory_space<hbm>>
      tpu.enqueue_dma source(%dma_start3A_92 : memref<200x128xi32, #tpu.memory_space<hbm>>) target(%arg5 : memref<200x128xi32, #tpu.memory_space<vmem>>) target_semaphore(%run_scoped3A : memref<!tpu.dma_semaphore, #tpu.memory_space<semaphore_mem>>)
      %dma_wait3A_93 = arith.constant 0 : i32
      %dma_wait3A_94 = arith.constant 0 : i32
      %dma_wait3A_95 = tpu.memref_slice %arg3[%add3A, %dma_wait3A_93, %dma_wait3A_94] : memref<32x200x128xi32, #tpu.memory_space<hbm>> -> memref<1x200x128xi32, #tpu.memory_space<hbm>>
      %dma_wait3A_96 = tpu.memref_squeeze %dma_wait3A_95 : memref<1x200x128xi32, #tpu.memory_space<hbm>> -> memref<200x128xi32, #tpu.memory_space<hbm>>
      %dma_wait3A_97 = arith.constant 0 : i32
      %dma_wait3A_98 = arith.constant 0 : i32
      %dma_wait3A_99 = tpu.memref_slice %arg3[%add3A, %dma_wait3A_97, %dma_wait3A_98] : memref<32x200x128xi32, #tpu.memory_space<hbm>> -> memref<1x200x128xi32, #tpu.memory_space<hbm>>
      %dma_wait3A_100 = tpu.memref_squeeze %dma_wait3A_99 : memref<1x200x128xi32, #tpu.memory_space<hbm>> -> memref<200x128xi32, #tpu.memory_space<hbm>>
      tpu.wait_dma2 semaphore(%run_scoped3A : memref<!tpu.dma_semaphore, #tpu.memory_space<semaphore_mem>>) src(%dma_wait3A_100 : memref<200x128xi32, #tpu.memory_space<hbm>>) dst(%arg5 : memref<200x128xi32, #tpu.memory_space<vmem>>)
      tpu.yield
    }) : () -> ()
    %dma_start3A = arith.constant 0 : i32
    %dma_start3A_1 = arith.constant 0 : i32
    %dma_start3A_2 = arith.constant 0 : i32
    %dma_start3A_3 = arith.constant 0 : i32
    %dma_start3A_4 = tpu.memref_slice %arg6[%dma_start3A_1, %dma_start3A_2, %dma_start3A_3] : memref<2x512x64xf32, #tpu.memory_space<vmem>> -> memref<1x128x64xf32, #tpu.memory_space<vmem>>
    %dma_start3A_5 = tpu.memref_squeeze %dma_start3A_4 : memref<1x128x64xf32, #tpu.memory_space<vmem>> -> memref<128x64xf32, #tpu.memory_space<vmem>>
    %dma_start3A_6 = arith.constant 0 : i32
    %dma_start3A_7 = tpu.memref_slice %arg5[%dma_start3A, %dma_start3A_6] : memref<200x128xi32, #tpu.memory_space<vmem>> -> memref<1x128xi32, #tpu.memory_space<vmem>>
    %dma_start3A_8 = tpu.memref_squeeze %dma_start3A_7 : memref<1x128xi32, #tpu.memory_space<vmem>> -> memref<128xi32, #tpu.memory_space<vmem>>
    %dma_start3A_9 = arith.constant 0 : i32
    %dma_start3A_10 = arith.constant 0 : i32
    %dma_start3A_11 = tpu.memref_slice %arg2[%dma_start3A_9, %dma_start3A_10] : memref<1000000x64xf32, #tpu.memory_space<hbm>> -> memref<1000000x64xf32, #tpu.memory_space<hbm>>
    tpu.enqueue_indirect_dma source(%dma_start3A_11 : memref<1000000x64xf32, #tpu.memory_space<hbm>>) target(%dma_start3A_5 : memref<128x64xf32, #tpu.memory_space<vmem>>) offsets(%dma_start3A_8 : memref<128xi32, #tpu.memory_space<vmem>>) semaphore(%arg7 : memref<!tpu.dma_semaphore, #tpu.memory_space<semaphore_mem>>)
    %dma_start3A_12 = arith.constant 1 : i32
    %dma_start3A_13 = arith.constant 0 : i32
    %dma_start3A_14 = arith.constant 128 : i32
    %dma_start3A_15 = arith.constant 0 : i32
    %dma_start3A_16 = tpu.memref_slice %arg6[%dma_start3A_13, %dma_start3A_14, %dma_start3A_15] : memref<2x512x64xf32, #tpu.memory_space<vmem>> -> memref<1x128x64xf32, #tpu.memory_space<vmem>>
    %dma_start3A_17 = tpu.memref_squeeze %dma_start3A_16 : memref<1x128x64xf32, #tpu.memory_space<vmem>> -> memref<128x64xf32, #tpu.memory_space<vmem>>
    %dma_start3A_18 = arith.constant 0 : i32
    %dma_start3A_19 = tpu.memref_slice %arg5[%dma_start3A_12, %dma_start3A_18] : memref<200x128xi32, #tpu.memory_space<vmem>> -> memref<1x128xi32, #tpu.memory_space<vmem>>
    %dma_start3A_20 = tpu.memref_squeeze %dma_start3A_19 : memref<1x128xi32, #tpu.memory_space<vmem>> -> memref<128xi32, #tpu.memory_space<vmem>>
    %dma_start3A_21 = arith.constant 0 : i32
    %dma_start3A_22 = arith.constant 0 : i32
    %dma_start3A_23 = tpu.memref_slice %arg2[%dma_start3A_21, %dma_start3A_22] : memref<1000000x64xf32, #tpu.memory_space<hbm>> -> memref<1000000x64xf32, #tpu.memory_space<hbm>>
    tpu.enqueue_indirect_dma source(%dma_start3A_23 : memref<1000000x64xf32, #tpu.memory_space<hbm>>) target(%dma_start3A_17 : memref<128x64xf32, #tpu.memory_space<vmem>>) offsets(%dma_start3A_20 : memref<128xi32, #tpu.memory_space<vmem>>) semaphore(%arg7 : memref<!tpu.dma_semaphore, #tpu.memory_space<semaphore_mem>>)
    %dma_start3A_24 = arith.constant 2 : i32
    %dma_start3A_25 = arith.constant 0 : i32
    %dma_start3A_26 = arith.constant 256 : i32
    %dma_start3A_27 = arith.constant 0 : i32
    %dma_start3A_28 = tpu.memref_slice %arg6[%dma_start3A_25, %dma_start3A_26, %dma_start3A_27] : memref<2x512x64xf32, #tpu.memory_space<vmem>> -> memref<1x128x64xf32, #tpu.memory_space<vmem>>
    %dma_start3A_29 = tpu.memref_squeeze %dma_start3A_28 : memref<1x128x64xf32, #tpu.memory_space<vmem>> -> memref<128x64xf32, #tpu.memory_space<vmem>>
    %dma_start3A_30 = arith.constant 0 : i32
    %dma_start3A_31 = tpu.memref_slice %arg5[%dma_start3A_24, %dma_start3A_30] : memref<200x128xi32, #tpu.memory_space<vmem>> -> memref<1x128xi32, #tpu.memory_space<vmem>>
    %dma_start3A_32 = tpu.memref_squeeze %dma_start3A_31 : memref<1x128xi32, #tpu.memory_space<vmem>> -> memref<128xi32, #tpu.memory_space<vmem>>
    %dma_start3A_33 = arith.constant 0 : i32
    %dma_start3A_34 = arith.constant 0 : i32
    %dma_start3A_35 = tpu.memref_slice %arg2[%dma_start3A_33, %dma_start3A_34] : memref<1000000x64xf32, #tpu.memory_space<hbm>> -> memref<1000000x64xf32, #tpu.memory_space<hbm>>
    tpu.enqueue_indirect_dma source(%dma_start3A_35 : memref<1000000x64xf32, #tpu.memory_space<hbm>>) target(%dma_start3A_29 : memref<128x64xf32, #tpu.memory_space<vmem>>) offsets(%dma_start3A_32 : memref<128xi32, #tpu.memory_space<vmem>>) semaphore(%arg7 : memref<!tpu.dma_semaphore, #tpu.memory_space<semaphore_mem>>)
    %dma_start3A_36 = arith.constant 3 : i32
    %dma_start3A_37 = arith.constant 0 : i32
    %dma_start3A_38 = arith.constant 384 : i32
    %dma_start3A_39 = arith.constant 0 : i32
    %dma_start3A_40 = tpu.memref_slice %arg6[%dma_start3A_37, %dma_start3A_38, %dma_start3A_39] : memref<2x512x64xf32, #tpu.memory_space<vmem>> -> memref<1x128x64xf32, #tpu.memory_space<vmem>>
    %dma_start3A_41 = tpu.memref_squeeze %dma_start3A_40 : memref<1x128x64xf32, #tpu.memory_space<vmem>> -> memref<128x64xf32, #tpu.memory_space<vmem>>
    %dma_start3A_42 = arith.constant 0 : i32
    %dma_start3A_43 = tpu.memref_slice %arg5[%dma_start3A_36, %dma_start3A_42] : memref<200x128xi32, #tpu.memory_space<vmem>> -> memref<1x128xi32, #tpu.memory_space<vmem>>
    %dma_start3A_44 = tpu.memref_squeeze %dma_start3A_43 : memref<1x128xi32, #tpu.memory_space<vmem>> -> memref<128xi32, #tpu.memory_space<vmem>>
    %dma_start3A_45 = arith.constant 0 : i32
    %dma_start3A_46 = arith.constant 0 : i32
    %dma_start3A_47 = tpu.memref_slice %arg2[%dma_start3A_45, %dma_start3A_46] : memref<1000000x64xf32, #tpu.memory_space<hbm>> -> memref<1000000x64xf32, #tpu.memory_space<hbm>>
    tpu.enqueue_indirect_dma source(%dma_start3A_47 : memref<1000000x64xf32, #tpu.memory_space<hbm>>) target(%dma_start3A_41 : memref<128x64xf32, #tpu.memory_space<vmem>>) offsets(%dma_start3A_44 : memref<128xi32, #tpu.memory_space<vmem>>) semaphore(%arg7 : memref<!tpu.dma_semaphore, #tpu.memory_space<semaphore_mem>>)
    %scan3A = arith.constant 0 : i32
    %scan3A_48 = arith.constant 25 : i32
    %scan3A_49 = arith.addi %scan3A, %scan3A_48 : i32
    %scan3A_50 = arith.constant 1 : i32
    scf.for %scan3A_85 = %scan3A to %scan3A_49 step %scan3A_50  : i32 {
      %mul3A_86 = arith.constant 2 : i32
      %mul3A_87 = arith.muli %scan3A_85, %mul3A_86 : i32
      %add3A_88 = arith.constant 0 : i32
      %add3A_89 = arith.addi %add3A_88, %mul3A_87 : i32
      %add3A_90 = arith.constant 0 : i32
      %add3A_91 = arith.addi %add3A_89, %add3A_90 : i32
      %add3A_92 = arith.constant 1 : i32
      %add3A_93 = arith.addi %add3A_91, %add3A_92 : i32
      %lt3A = arith.constant 50 : i32
      %lt3A_94 = arith.cmpi slt, %add3A_93, %lt3A : i32
      %convert_element_type3A = arith.extui %lt3A_94 : i1 to i32
      %cond3A = arith.constant 0 : i32
      %cond3A_95 = arith.cmpi ne, %convert_element_type3A, %cond3A : i32
      scf.if %cond3A_95 {
        %ge3A = arith.constant 2 : i32
        %ge3A_259 = arith.cmpi sge, %add3A_93, %ge3A : i32
        %convert_element_type3A_260 = arith.extui %ge3A_259 : i1 to i32
        %cond3A_261 = arith.constant 0 : i32
        %cond3A_262 = arith.cmpi ne, %convert_element_type3A_260, %cond3A_261 : i32
        scf.if %cond3A_262 {
          %sub3A = arith.constant 2 : i32
          %sub3A_323 = arith.subi %add3A_93, %sub3A : i32
          %mul3A_324 = arith.constant 512 : i32
          %mul3A_325 = arith.muli %sub3A_323, %mul3A_324 : i32
          %dma_wait3A_326 = arith.constant 1 : i32
          %dma_wait3A_327 = arith.constant 0 : i32
          %dma_wait3A_328 = arith.constant 0 : i32
          %dma_wait3A_329 = tpu.memref_slice %arg6[%dma_wait3A_326, %dma_wait3A_327, %dma_wait3A_328] : memref<2x512x64xf32, #tpu.memory_space<vmem>> -> memref<1x512x64xf32, #tpu.memory_space<vmem>>
          %dma_wait3A_330 = tpu.memref_squeeze %dma_wait3A_329 : memref<1x512x64xf32, #tpu.memory_space<vmem>> -> memref<512x64xf32, #tpu.memory_space<vmem>>
          %dma_wait3A_331 = arith.constant 0 : i32
          %dma_wait3A_332 = tpu.memref_slice %arg4[%add3A, %mul3A_325, %dma_wait3A_331] : memref<32x25600x64xf32, #tpu.memory_space<hbm>> -> memref<1x512x64xf32, #tpu.memory_space<hbm>>
          %dma_wait3A_333 = tpu.memref_squeeze %dma_wait3A_332 : memref<1x512x64xf32, #tpu.memory_space<hbm>> -> memref<512x64xf32, #tpu.memory_space<hbm>>
          %dma_wait3A_334 = arith.constant 0 : i32
          %dma_wait3A_335 = tpu.memref_slice %arg4[%add3A, %mul3A_325, %dma_wait3A_334] : memref<32x25600x64xf32, #tpu.memory_space<hbm>> -> memref<1x512x64xf32, #tpu.memory_space<hbm>>
          %dma_wait3A_336 = tpu.memref_squeeze %dma_wait3A_335 : memref<1x512x64xf32, #tpu.memory_space<hbm>> -> memref<512x64xf32, #tpu.memory_space<hbm>>
          %dma_wait3A_337 = arith.constant 0 : i32
          %dma_wait3A_338 = arith.constant 0 : i32
          %dma_wait3A_339 = tpu.memref_slice %arg6[%dma_wait3A_326, %dma_wait3A_337, %dma_wait3A_338] : memref<2x512x64xf32, #tpu.memory_space<vmem>> -> memref<1x512x64xf32, #tpu.memory_space<vmem>>
          %dma_wait3A_340 = tpu.memref_squeeze %dma_wait3A_339 : memref<1x512x64xf32, #tpu.memory_space<vmem>> -> memref<512x64xf32, #tpu.memory_space<vmem>>
          tpu.wait_dma2 semaphore(%arg10 : memref<!tpu.dma_semaphore, #tpu.memory_space<semaphore_mem>>) src(%dma_wait3A_340 : memref<512x64xf32, #tpu.memory_space<vmem>>) dst(%dma_wait3A_336 : memref<512x64xf32, #tpu.memory_space<hbm>>)
        } else {
        }
        %mul3A_263 = arith.constant 4 : i32
        %mul3A_264 = arith.muli %add3A_93, %mul3A_263 : i32
        %add3A_265 = arith.constant 0 : i32
        %add3A_266 = arith.addi %mul3A_264, %add3A_265 : i32
        %dma_start3A_267 = arith.constant 1 : i32
        %dma_start3A_268 = arith.constant 0 : i32
        %dma_start3A_269 = arith.constant 0 : i32
        %dma_start3A_270 = tpu.memref_slice %arg6[%dma_start3A_267, %dma_start3A_268, %dma_start3A_269] : memref<2x512x64xf32, #tpu.memory_space<vmem>> -> memref<1x128x64xf32, #tpu.memory_space<vmem>>
        %dma_start3A_271 = tpu.memref_squeeze %dma_start3A_270 : memref<1x128x64xf32, #tpu.memory_space<vmem>> -> memref<128x64xf32, #tpu.memory_space<vmem>>
        %dma_start3A_272 = arith.constant 0 : i32
        %dma_start3A_273 = tpu.memref_slice %arg5[%add3A_266, %dma_start3A_272] : memref<200x128xi32, #tpu.memory_space<vmem>> -> memref<1x128xi32, #tpu.memory_space<vmem>>
        %dma_start3A_274 = tpu.memref_squeeze %dma_start3A_273 : memref<1x128xi32, #tpu.memory_space<vmem>> -> memref<128xi32, #tpu.memory_space<vmem>>
        %dma_start3A_275 = arith.constant 0 : i32
        %dma_start3A_276 = arith.constant 0 : i32
        %dma_start3A_277 = tpu.memref_slice %arg2[%dma_start3A_275, %dma_start3A_276] : memref<1000000x64xf32, #tpu.memory_space<hbm>> -> memref<1000000x64xf32, #tpu.memory_space<hbm>>
        tpu.enqueue_indirect_dma source(%dma_start3A_277 : memref<1000000x64xf32, #tpu.memory_space<hbm>>) target(%dma_start3A_271 : memref<128x64xf32, #tpu.memory_space<vmem>>) offsets(%dma_start3A_274 : memref<128xi32, #tpu.memory_space<vmem>>) semaphore(%arg8 : memref<!tpu.dma_semaphore, #tpu.memory_space<semaphore_mem>>)
        %mul3A_278 = arith.constant 4 : i32
        %mul3A_279 = arith.muli %add3A_93, %mul3A_278 : i32
        %add3A_280 = arith.constant 1 : i32
        %add3A_281 = arith.addi %mul3A_279, %add3A_280 : i32
        %dma_start3A_282 = arith.constant 1 : i32
        %dma_start3A_283 = arith.constant 128 : i32
        %dma_start3A_284 = arith.constant 0 : i32
        %dma_start3A_285 = tpu.memref_slice %arg6[%dma_start3A_282, %dma_start3A_283, %dma_start3A_284] : memref<2x512x64xf32, #tpu.memory_space<vmem>> -> memref<1x128x64xf32, #tpu.memory_space<vmem>>
        %dma_start3A_286 = tpu.memref_squeeze %dma_start3A_285 : memref<1x128x64xf32, #tpu.memory_space<vmem>> -> memref<128x64xf32, #tpu.memory_space<vmem>>
        %dma_start3A_287 = arith.constant 0 : i32
        %dma_start3A_288 = tpu.memref_slice %arg5[%add3A_281, %dma_start3A_287] : memref<200x128xi32, #tpu.memory_space<vmem>> -> memref<1x128xi32, #tpu.memory_space<vmem>>
        %dma_start3A_289 = tpu.memref_squeeze %dma_start3A_288 : memref<1x128xi32, #tpu.memory_space<vmem>> -> memref<128xi32, #tpu.memory_space<vmem>>
        %dma_start3A_290 = arith.constant 0 : i32
        %dma_start3A_291 = arith.constant 0 : i32
        %dma_start3A_292 = tpu.memref_slice %arg2[%dma_start3A_290, %dma_start3A_291] : memref<1000000x64xf32, #tpu.memory_space<hbm>> -> memref<1000000x64xf32, #tpu.memory_space<hbm>>
        tpu.enqueue_indirect_dma source(%dma_start3A_292 : memref<1000000x64xf32, #tpu.memory_space<hbm>>) target(%dma_start3A_286 : memref<128x64xf32, #tpu.memory_space<vmem>>) offsets(%dma_start3A_289 : memref<128xi32, #tpu.memory_space<vmem>>) semaphore(%arg8 : memref<!tpu.dma_semaphore, #tpu.memory_space<semaphore_mem>>)
        %mul3A_293 = arith.constant 4 : i32
        %mul3A_294 = arith.muli %add3A_93, %mul3A_293 : i32
        %add3A_295 = arith.constant 2 : i32
        %add3A_296 = arith.addi %mul3A_294, %add3A_295 : i32
        %dma_start3A_297 = arith.constant 1 : i32
        %dma_start3A_298 = arith.constant 256 : i32
        %dma_start3A_299 = arith.constant 0 : i32
        %dma_start3A_300 = tpu.memref_slice %arg6[%dma_start3A_297, %dma_start3A_298, %dma_start3A_299] : memref<2x512x64xf32, #tpu.memory_space<vmem>> -> memref<1x128x64xf32, #tpu.memory_space<vmem>>
        %dma_start3A_301 = tpu.memref_squeeze %dma_start3A_300 : memref<1x128x64xf32, #tpu.memory_space<vmem>> -> memref<128x64xf32, #tpu.memory_space<vmem>>
        %dma_start3A_302 = arith.constant 0 : i32
        %dma_start3A_303 = tpu.memref_slice %arg5[%add3A_296, %dma_start3A_302] : memref<200x128xi32, #tpu.memory_space<vmem>> -> memref<1x128xi32, #tpu.memory_space<vmem>>
        %dma_start3A_304 = tpu.memref_squeeze %dma_start3A_303 : memref<1x128xi32, #tpu.memory_space<vmem>> -> memref<128xi32, #tpu.memory_space<vmem>>
        %dma_start3A_305 = arith.constant 0 : i32
        %dma_start3A_306 = arith.constant 0 : i32
        %dma_start3A_307 = tpu.memref_slice %arg2[%dma_start3A_305, %dma_start3A_306] : memref<1000000x64xf32, #tpu.memory_space<hbm>> -> memref<1000000x64xf32, #tpu.memory_space<hbm>>
        tpu.enqueue_indirect_dma source(%dma_start3A_307 : memref<1000000x64xf32, #tpu.memory_space<hbm>>) target(%dma_start3A_301 : memref<128x64xf32, #tpu.memory_space<vmem>>) offsets(%dma_start3A_304 : memref<128xi32, #tpu.memory_space<vmem>>) semaphore(%arg8 : memref<!tpu.dma_semaphore, #tpu.memory_space<semaphore_mem>>)
        %mul3A_308 = arith.constant 4 : i32
        %mul3A_309 = arith.muli %add3A_93, %mul3A_308 : i32
        %add3A_310 = arith.constant 3 : i32
        %add3A_311 = arith.addi %mul3A_309, %add3A_310 : i32
        %dma_start3A_312 = arith.constant 1 : i32
        %dma_start3A_313 = arith.constant 384 : i32
        %dma_start3A_314 = arith.constant 0 : i32
        %dma_start3A_315 = tpu.memref_slice %arg6[%dma_start3A_312, %dma_start3A_313, %dma_start3A_314] : memref<2x512x64xf32, #tpu.memory_space<vmem>> -> memref<1x128x64xf32, #tpu.memory_space<vmem>>
        %dma_start3A_316 = tpu.memref_squeeze %dma_start3A_315 : memref<1x128x64xf32, #tpu.memory_space<vmem>> -> memref<128x64xf32, #tpu.memory_space<vmem>>
        %dma_start3A_317 = arith.constant 0 : i32
        %dma_start3A_318 = tpu.memref_slice %arg5[%add3A_311, %dma_start3A_317] : memref<200x128xi32, #tpu.memory_space<vmem>> -> memref<1x128xi32, #tpu.memory_space<vmem>>
        %dma_start3A_319 = tpu.memref_squeeze %dma_start3A_318 : memref<1x128xi32, #tpu.memory_space<vmem>> -> memref<128xi32, #tpu.memory_space<vmem>>
        %dma_start3A_320 = arith.constant 0 : i32
        %dma_start3A_321 = arith.constant 0 : i32
        %dma_start3A_322 = tpu.memref_slice %arg2[%dma_start3A_320, %dma_start3A_321] : memref<1000000x64xf32, #tpu.memory_space<hbm>> -> memref<1000000x64xf32, #tpu.memory_space<hbm>>
        tpu.enqueue_indirect_dma source(%dma_start3A_322 : memref<1000000x64xf32, #tpu.memory_space<hbm>>) target(%dma_start3A_316 : memref<128x64xf32, #tpu.memory_space<vmem>>) offsets(%dma_start3A_319 : memref<128xi32, #tpu.memory_space<vmem>>) semaphore(%arg8 : memref<!tpu.dma_semaphore, #tpu.memory_space<semaphore_mem>>)
      } else {
      }
      %mul3A_96 = arith.constant 4 : i32
      %mul3A_97 = arith.muli %add3A_91, %mul3A_96 : i32
      %add3A_98 = arith.constant 0 : i32
      %add3A_99 = arith.addi %mul3A_97, %add3A_98 : i32
      %dma_wait3A_100 = arith.constant 0 : i32
      %dma_wait3A_101 = arith.constant 0 : i32
      %dma_wait3A_102 = arith.constant 0 : i32
      %dma_wait3A_103 = tpu.memref_slice %arg6[%dma_wait3A_100, %dma_wait3A_101, %dma_wait3A_102] : memref<2x512x64xf32, #tpu.memory_space<vmem>> -> memref<1x128x64xf32, #tpu.memory_space<vmem>>
      %dma_wait3A_104 = tpu.memref_squeeze %dma_wait3A_103 : memref<1x128x64xf32, #tpu.memory_space<vmem>> -> memref<128x64xf32, #tpu.memory_space<vmem>>
      %dma_wait3A_105 = arith.constant 0 : i32
      %dma_wait3A_106 = tpu.memref_slice %arg5[%add3A_99, %dma_wait3A_105] : memref<200x128xi32, #tpu.memory_space<vmem>> -> memref<1x128xi32, #tpu.memory_space<vmem>>
      %dma_wait3A_107 = tpu.memref_squeeze %dma_wait3A_106 : memref<1x128xi32, #tpu.memory_space<vmem>> -> memref<128xi32, #tpu.memory_space<vmem>>
      %dma_wait3A_108 = arith.constant 0 : i32
      %dma_wait3A_109 = arith.constant 0 : i32
      %dma_wait3A_110 = tpu.memref_slice %arg2[%dma_wait3A_108, %dma_wait3A_109] : memref<1000000x64xf32, #tpu.memory_space<hbm>> -> memref<1000000x64xf32, #tpu.memory_space<hbm>>
      tpu.wait_indirect_dma semaphore(%arg7 : memref<!tpu.dma_semaphore, #tpu.memory_space<semaphore_mem>>) src(%dma_wait3A_110 : memref<1000000x64xf32, #tpu.memory_space<hbm>>) dst(%dma_wait3A_104 : memref<128x64xf32, #tpu.memory_space<vmem>>)
      %mul3A_111 = arith.constant 4 : i32
      %mul3A_112 = arith.muli %add3A_91, %mul3A_111 : i32
      %add3A_113 = arith.constant 1 : i32
      %add3A_114 = arith.addi %mul3A_112, %add3A_113 : i32
      %dma_wait3A_115 = arith.constant 0 : i32
      %dma_wait3A_116 = arith.constant 128 : i32
      %dma_wait3A_117 = arith.constant 0 : i32
      %dma_wait3A_118 = tpu.memref_slice %arg6[%dma_wait3A_115, %dma_wait3A_116, %dma_wait3A_117] : memref<2x512x64xf32, #tpu.memory_space<vmem>> -> memref<1x128x64xf32, #tpu.memory_space<vmem>>
      %dma_wait3A_119 = tpu.memref_squeeze %dma_wait3A_118 : memref<1x128x64xf32, #tpu.memory_space<vmem>> -> memref<128x64xf32, #tpu.memory_space<vmem>>
      %dma_wait3A_120 = arith.constant 0 : i32
      %dma_wait3A_121 = tpu.memref_slice %arg5[%add3A_114, %dma_wait3A_120] : memref<200x128xi32, #tpu.memory_space<vmem>> -> memref<1x128xi32, #tpu.memory_space<vmem>>
      %dma_wait3A_122 = tpu.memref_squeeze %dma_wait3A_121 : memref<1x128xi32, #tpu.memory_space<vmem>> -> memref<128xi32, #tpu.memory_space<vmem>>
      %dma_wait3A_123 = arith.constant 0 : i32
      %dma_wait3A_124 = arith.constant 0 : i32
      %dma_wait3A_125 = tpu.memref_slice %arg2[%dma_wait3A_123, %dma_wait3A_124] : memref<1000000x64xf32, #tpu.memory_space<hbm>> -> memref<1000000x64xf32, #tpu.memory_space<hbm>>
      tpu.wait_indirect_dma semaphore(%arg7 : memref<!tpu.dma_semaphore, #tpu.memory_space<semaphore_mem>>) src(%dma_wait3A_125 : memref<1000000x64xf32, #tpu.memory_space<hbm>>) dst(%dma_wait3A_119 : memref<128x64xf32, #tpu.memory_space<vmem>>)
      %mul3A_126 = arith.constant 4 : i32
      %mul3A_127 = arith.muli %add3A_91, %mul3A_126 : i32
      %add3A_128 = arith.constant 2 : i32
      %add3A_129 = arith.addi %mul3A_127, %add3A_128 : i32
      %dma_wait3A_130 = arith.constant 0 : i32
      %dma_wait3A_131 = arith.constant 256 : i32
      %dma_wait3A_132 = arith.constant 0 : i32
      %dma_wait3A_133 = tpu.memref_slice %arg6[%dma_wait3A_130, %dma_wait3A_131, %dma_wait3A_132] : memref<2x512x64xf32, #tpu.memory_space<vmem>> -> memref<1x128x64xf32, #tpu.memory_space<vmem>>
      %dma_wait3A_134 = tpu.memref_squeeze %dma_wait3A_133 : memref<1x128x64xf32, #tpu.memory_space<vmem>> -> memref<128x64xf32, #tpu.memory_space<vmem>>
      %dma_wait3A_135 = arith.constant 0 : i32
      %dma_wait3A_136 = tpu.memref_slice %arg5[%add3A_129, %dma_wait3A_135] : memref<200x128xi32, #tpu.memory_space<vmem>> -> memref<1x128xi32, #tpu.memory_space<vmem>>
      %dma_wait3A_137 = tpu.memref_squeeze %dma_wait3A_136 : memref<1x128xi32, #tpu.memory_space<vmem>> -> memref<128xi32, #tpu.memory_space<vmem>>
      %dma_wait3A_138 = arith.constant 0 : i32
      %dma_wait3A_139 = arith.constant 0 : i32
      %dma_wait3A_140 = tpu.memref_slice %arg2[%dma_wait3A_138, %dma_wait3A_139] : memref<1000000x64xf32, #tpu.memory_space<hbm>> -> memref<1000000x64xf32, #tpu.memory_space<hbm>>
      tpu.wait_indirect_dma semaphore(%arg7 : memref<!tpu.dma_semaphore, #tpu.memory_space<semaphore_mem>>) src(%dma_wait3A_140 : memref<1000000x64xf32, #tpu.memory_space<hbm>>) dst(%dma_wait3A_134 : memref<128x64xf32, #tpu.memory_space<vmem>>)
      %mul3A_141 = arith.constant 4 : i32
      %mul3A_142 = arith.muli %add3A_91, %mul3A_141 : i32
      %add3A_143 = arith.constant 3 : i32
      %add3A_144 = arith.addi %mul3A_142, %add3A_143 : i32
      %dma_wait3A_145 = arith.constant 0 : i32
      %dma_wait3A_146 = arith.constant 384 : i32
      %dma_wait3A_147 = arith.constant 0 : i32
      %dma_wait3A_148 = tpu.memref_slice %arg6[%dma_wait3A_145, %dma_wait3A_146, %dma_wait3A_147] : memref<2x512x64xf32, #tpu.memory_space<vmem>> -> memref<1x128x64xf32, #tpu.memory_space<vmem>>
      %dma_wait3A_149 = tpu.memref_squeeze %dma_wait3A_148 : memref<1x128x64xf32, #tpu.memory_space<vmem>> -> memref<128x64xf32, #tpu.memory_space<vmem>>
      %dma_wait3A_150 = arith.constant 0 : i32
      %dma_wait3A_151 = tpu.memref_slice %arg5[%add3A_144, %dma_wait3A_150] : memref<200x128xi32, #tpu.memory_space<vmem>> -> memref<1x128xi32, #tpu.memory_space<vmem>>
      %dma_wait3A_152 = tpu.memref_squeeze %dma_wait3A_151 : memref<1x128xi32, #tpu.memory_space<vmem>> -> memref<128xi32, #tpu.memory_space<vmem>>
      %dma_wait3A_153 = arith.constant 0 : i32
      %dma_wait3A_154 = arith.constant 0 : i32
      %dma_wait3A_155 = tpu.memref_slice %arg2[%dma_wait3A_153, %dma_wait3A_154] : memref<1000000x64xf32, #tpu.memory_space<hbm>> -> memref<1000000x64xf32, #tpu.memory_space<hbm>>
      tpu.wait_indirect_dma semaphore(%arg7 : memref<!tpu.dma_semaphore, #tpu.memory_space<semaphore_mem>>) src(%dma_wait3A_155 : memref<1000000x64xf32, #tpu.memory_space<hbm>>) dst(%dma_wait3A_149 : memref<128x64xf32, #tpu.memory_space<vmem>>)
      %mul3A_156 = arith.constant 512 : i32
      %mul3A_157 = arith.muli %add3A_91, %mul3A_156 : i32
      %dma_start3A_158 = arith.constant 0 : i32
      %dma_start3A_159 = arith.constant 0 : i32
      %dma_start3A_160 = arith.constant 0 : i32
      %dma_start3A_161 = tpu.memref_slice %arg6[%dma_start3A_158, %dma_start3A_159, %dma_start3A_160] : memref<2x512x64xf32, #tpu.memory_space<vmem>> -> memref<1x512x64xf32, #tpu.memory_space<vmem>>
      %dma_start3A_162 = tpu.memref_squeeze %dma_start3A_161 : memref<1x512x64xf32, #tpu.memory_space<vmem>> -> memref<512x64xf32, #tpu.memory_space<vmem>>
      %dma_start3A_163 = arith.constant 0 : i32
      %dma_start3A_164 = tpu.memref_slice %arg4[%add3A, %mul3A_157, %dma_start3A_163] : memref<32x25600x64xf32, #tpu.memory_space<hbm>> -> memref<1x512x64xf32, #tpu.memory_space<hbm>>
      %dma_start3A_165 = tpu.memref_squeeze %dma_start3A_164 : memref<1x512x64xf32, #tpu.memory_space<hbm>> -> memref<512x64xf32, #tpu.memory_space<hbm>>
      %dma_start3A_166 = arith.constant 0 : i32
      %dma_start3A_167 = tpu.memref_slice %arg4[%add3A, %mul3A_157, %dma_start3A_166] : memref<32x25600x64xf32, #tpu.memory_space<hbm>> -> memref<1x512x64xf32, #tpu.memory_space<hbm>>
      %dma_start3A_168 = tpu.memref_squeeze %dma_start3A_167 : memref<1x512x64xf32, #tpu.memory_space<hbm>> -> memref<512x64xf32, #tpu.memory_space<hbm>>
      %dma_start3A_169 = arith.constant 0 : i32
      %dma_start3A_170 = arith.constant 0 : i32
      %dma_start3A_171 = tpu.memref_slice %arg6[%dma_start3A_158, %dma_start3A_169, %dma_start3A_170] : memref<2x512x64xf32, #tpu.memory_space<vmem>> -> memref<1x512x64xf32, #tpu.memory_space<vmem>>
      %dma_start3A_172 = tpu.memref_squeeze %dma_start3A_171 : memref<1x512x64xf32, #tpu.memory_space<vmem>> -> memref<512x64xf32, #tpu.memory_space<vmem>>
      tpu.enqueue_dma source(%dma_start3A_172 : memref<512x64xf32, #tpu.memory_space<vmem>>) target(%dma_start3A_168 : memref<512x64xf32, #tpu.memory_space<hbm>>) target_semaphore(%arg9 : memref<!tpu.dma_semaphore, #tpu.memory_space<semaphore_mem>>)
      %add3A_173 = arith.constant 1 : i32
      %add3A_174 = arith.addi %add3A_89, %add3A_173 : i32
      %add3A_175 = arith.constant 1 : i32
      %add3A_176 = arith.addi %add3A_174, %add3A_175 : i32
      %lt3A_177 = arith.constant 50 : i32
      %lt3A_178 = arith.cmpi slt, %add3A_176, %lt3A_177 : i32
      %convert_element_type3A_179 = arith.extui %lt3A_178 : i1 to i32
      %cond3A_180 = arith.constant 0 : i32
      %cond3A_181 = arith.cmpi ne, %convert_element_type3A_179, %cond3A_180 : i32
      scf.if %cond3A_181 {
        %ge3A = arith.constant 2 : i32
        %ge3A_259 = arith.cmpi sge, %add3A_176, %ge3A : i32
        %convert_element_type3A_260 = arith.extui %ge3A_259 : i1 to i32
        %cond3A_261 = arith.constant 0 : i32
        %cond3A_262 = arith.cmpi ne, %convert_element_type3A_260, %cond3A_261 : i32
        scf.if %cond3A_262 {
          %sub3A = arith.constant 2 : i32
          %sub3A_323 = arith.subi %add3A_176, %sub3A : i32
          %mul3A_324 = arith.constant 512 : i32
          %mul3A_325 = arith.muli %sub3A_323, %mul3A_324 : i32
          %dma_wait3A_326 = arith.constant 0 : i32
          %dma_wait3A_327 = arith.constant 0 : i32
          %dma_wait3A_328 = arith.constant 0 : i32
          %dma_wait3A_329 = tpu.memref_slice %arg6[%dma_wait3A_326, %dma_wait3A_327, %dma_wait3A_328] : memref<2x512x64xf32, #tpu.memory_space<vmem>> -> memref<1x512x64xf32, #tpu.memory_space<vmem>>
          %dma_wait3A_330 = tpu.memref_squeeze %dma_wait3A_329 : memref<1x512x64xf32, #tpu.memory_space<vmem>> -> memref<512x64xf32, #tpu.memory_space<vmem>>
          %dma_wait3A_331 = arith.constant 0 : i32
          %dma_wait3A_332 = tpu.memref_slice %arg4[%add3A, %mul3A_325, %dma_wait3A_331] : memref<32x25600x64xf32, #tpu.memory_space<hbm>> -> memref<1x512x64xf32, #tpu.memory_space<hbm>>
          %dma_wait3A_333 = tpu.memref_squeeze %dma_wait3A_332 : memref<1x512x64xf32, #tpu.memory_space<hbm>> -> memref<512x64xf32, #tpu.memory_space<hbm>>
          %dma_wait3A_334 = arith.constant 0 : i32
          %dma_wait3A_335 = tpu.memref_slice %arg4[%add3A, %mul3A_325, %dma_wait3A_334] : memref<32x25600x64xf32, #tpu.memory_space<hbm>> -> memref<1x512x64xf32, #tpu.memory_space<hbm>>
          %dma_wait3A_336 = tpu.memref_squeeze %dma_wait3A_335 : memref<1x512x64xf32, #tpu.memory_space<hbm>> -> memref<512x64xf32, #tpu.memory_space<hbm>>
          %dma_wait3A_337 = arith.constant 0 : i32
          %dma_wait3A_338 = arith.constant 0 : i32
          %dma_wait3A_339 = tpu.memref_slice %arg6[%dma_wait3A_326, %dma_wait3A_337, %dma_wait3A_338] : memref<2x512x64xf32, #tpu.memory_space<vmem>> -> memref<1x512x64xf32, #tpu.memory_space<vmem>>
          %dma_wait3A_340 = tpu.memref_squeeze %dma_wait3A_339 : memref<1x512x64xf32, #tpu.memory_space<vmem>> -> memref<512x64xf32, #tpu.memory_space<vmem>>
          tpu.wait_dma2 semaphore(%arg9 : memref<!tpu.dma_semaphore, #tpu.memory_space<semaphore_mem>>) src(%dma_wait3A_340 : memref<512x64xf32, #tpu.memory_space<vmem>>) dst(%dma_wait3A_336 : memref<512x64xf32, #tpu.memory_space<hbm>>)
        } else {
        }
        %mul3A_263 = arith.constant 4 : i32
        %mul3A_264 = arith.muli %add3A_176, %mul3A_263 : i32
        %add3A_265 = arith.constant 0 : i32
        %add3A_266 = arith.addi %mul3A_264, %add3A_265 : i32
        %dma_start3A_267 = arith.constant 0 : i32
        %dma_start3A_268 = arith.constant 0 : i32
        %dma_start3A_269 = arith.constant 0 : i32
        %dma_start3A_270 = tpu.memref_slice %arg6[%dma_start3A_267, %dma_start3A_268, %dma_start3A_269] : memref<2x512x64xf32, #tpu.memory_space<vmem>> -> memref<1x128x64xf32, #tpu.memory_space<vmem>>
        %dma_start3A_271 = tpu.memref_squeeze %dma_start3A_270 : memref<1x128x64xf32, #tpu.memory_space<vmem>> -> memref<128x64xf32, #tpu.memory_space<vmem>>
        %dma_start3A_272 = arith.constant 0 : i32
        %dma_start3A_273 = tpu.memref_slice %arg5[%add3A_266, %dma_start3A_272] : memref<200x128xi32, #tpu.memory_space<vmem>> -> memref<1x128xi32, #tpu.memory_space<vmem>>
        %dma_start3A_274 = tpu.memref_squeeze %dma_start3A_273 : memref<1x128xi32, #tpu.memory_space<vmem>> -> memref<128xi32, #tpu.memory_space<vmem>>
        %dma_start3A_275 = arith.constant 0 : i32
        %dma_start3A_276 = arith.constant 0 : i32
        %dma_start3A_277 = tpu.memref_slice %arg2[%dma_start3A_275, %dma_start3A_276] : memref<1000000x64xf32, #tpu.memory_space<hbm>> -> memref<1000000x64xf32, #tpu.memory_space<hbm>>
        tpu.enqueue_indirect_dma source(%dma_start3A_277 : memref<1000000x64xf32, #tpu.memory_space<hbm>>) target(%dma_start3A_271 : memref<128x64xf32, #tpu.memory_space<vmem>>) offsets(%dma_start3A_274 : memref<128xi32, #tpu.memory_space<vmem>>) semaphore(%arg7 : memref<!tpu.dma_semaphore, #tpu.memory_space<semaphore_mem>>)
        %mul3A_278 = arith.constant 4 : i32
        %mul3A_279 = arith.muli %add3A_176, %mul3A_278 : i32
        %add3A_280 = arith.constant 1 : i32
        %add3A_281 = arith.addi %mul3A_279, %add3A_280 : i32
        %dma_start3A_282 = arith.constant 0 : i32
        %dma_start3A_283 = arith.constant 128 : i32
        %dma_start3A_284 = arith.constant 0 : i32
        %dma_start3A_285 = tpu.memref_slice %arg6[%dma_start3A_282, %dma_start3A_283, %dma_start3A_284] : memref<2x512x64xf32, #tpu.memory_space<vmem>> -> memref<1x128x64xf32, #tpu.memory_space<vmem>>
        %dma_start3A_286 = tpu.memref_squeeze %dma_start3A_285 : memref<1x128x64xf32, #tpu.memory_space<vmem>> -> memref<128x64xf32, #tpu.memory_space<vmem>>
        %dma_start3A_287 = arith.constant 0 : i32
        %dma_start3A_288 = tpu.memref_slice %arg5[%add3A_281, %dma_start3A_287] : memref<200x128xi32, #tpu.memory_space<vmem>> -> memref<1x128xi32, #tpu.memory_space<vmem>>
        %dma_start3A_289 = tpu.memref_squeeze %dma_start3A_288 : memref<1x128xi32, #tpu.memory_space<vmem>> -> memref<128xi32, #tpu.memory_space<vmem>>
        %dma_start3A_290 = arith.constant 0 : i32
        %dma_start3A_291 = arith.constant 0 : i32
        %dma_start3A_292 = tpu.memref_slice %arg2[%dma_start3A_290, %dma_start3A_291] : memref<1000000x64xf32, #tpu.memory_space<hbm>> -> memref<1000000x64xf32, #tpu.memory_space<hbm>>
        tpu.enqueue_indirect_dma source(%dma_start3A_292 : memref<1000000x64xf32, #tpu.memory_space<hbm>>) target(%dma_start3A_286 : memref<128x64xf32, #tpu.memory_space<vmem>>) offsets(%dma_start3A_289 : memref<128xi32, #tpu.memory_space<vmem>>) semaphore(%arg7 : memref<!tpu.dma_semaphore, #tpu.memory_space<semaphore_mem>>)
        %mul3A_293 = arith.constant 4 : i32
        %mul3A_294 = arith.muli %add3A_176, %mul3A_293 : i32
        %add3A_295 = arith.constant 2 : i32
        %add3A_296 = arith.addi %mul3A_294, %add3A_295 : i32
        %dma_start3A_297 = arith.constant 0 : i32
        %dma_start3A_298 = arith.constant 256 : i32
        %dma_start3A_299 = arith.constant 0 : i32
        %dma_start3A_300 = tpu.memref_slice %arg6[%dma_start3A_297, %dma_start3A_298, %dma_start3A_299] : memref<2x512x64xf32, #tpu.memory_space<vmem>> -> memref<1x128x64xf32, #tpu.memory_space<vmem>>
        %dma_start3A_301 = tpu.memref_squeeze %dma_start3A_300 : memref<1x128x64xf32, #tpu.memory_space<vmem>> -> memref<128x64xf32, #tpu.memory_space<vmem>>
        %dma_start3A_302 = arith.constant 0 : i32
        %dma_start3A_303 = tpu.memref_slice %arg5[%add3A_296, %dma_start3A_302] : memref<200x128xi32, #tpu.memory_space<vmem>> -> memref<1x128xi32, #tpu.memory_space<vmem>>
        %dma_start3A_304 = tpu.memref_squeeze %dma_start3A_303 : memref<1x128xi32, #tpu.memory_space<vmem>> -> memref<128xi32, #tpu.memory_space<vmem>>
        %dma_start3A_305 = arith.constant 0 : i32
        %dma_start3A_306 = arith.constant 0 : i32
        %dma_start3A_307 = tpu.memref_slice %arg2[%dma_start3A_305, %dma_start3A_306] : memref<1000000x64xf32, #tpu.memory_space<hbm>> -> memref<1000000x64xf32, #tpu.memory_space<hbm>>
        tpu.enqueue_indirect_dma source(%dma_start3A_307 : memref<1000000x64xf32, #tpu.memory_space<hbm>>) target(%dma_start3A_301 : memref<128x64xf32, #tpu.memory_space<vmem>>) offsets(%dma_start3A_304 : memref<128xi32, #tpu.memory_space<vmem>>) semaphore(%arg7 : memref<!tpu.dma_semaphore, #tpu.memory_space<semaphore_mem>>)
        %mul3A_308 = arith.constant 4 : i32
        %mul3A_309 = arith.muli %add3A_176, %mul3A_308 : i32
        %add3A_310 = arith.constant 3 : i32
        %add3A_311 = arith.addi %mul3A_309, %add3A_310 : i32
        %dma_start3A_312 = arith.constant 0 : i32
        %dma_start3A_313 = arith.constant 384 : i32
        %dma_start3A_314 = arith.constant 0 : i32
        %dma_start3A_315 = tpu.memref_slice %arg6[%dma_start3A_312, %dma_start3A_313, %dma_start3A_314] : memref<2x512x64xf32, #tpu.memory_space<vmem>> -> memref<1x128x64xf32, #tpu.memory_space<vmem>>
        %dma_start3A_316 = tpu.memref_squeeze %dma_start3A_315 : memref<1x128x64xf32, #tpu.memory_space<vmem>> -> memref<128x64xf32, #tpu.memory_space<vmem>>
        %dma_start3A_317 = arith.constant 0 : i32
        %dma_start3A_318 = tpu.memref_slice %arg5[%add3A_311, %dma_start3A_317] : memref<200x128xi32, #tpu.memory_space<vmem>> -> memref<1x128xi32, #tpu.memory_space<vmem>>
        %dma_start3A_319 = tpu.memref_squeeze %dma_start3A_318 : memref<1x128xi32, #tpu.memory_space<vmem>> -> memref<128xi32, #tpu.memory_space<vmem>>
        %dma_start3A_320 = arith.constant 0 : i32
        %dma_start3A_321 = arith.constant 0 : i32
        %dma_start3A_322 = tpu.memref_slice %arg2[%dma_start3A_320, %dma_start3A_321] : memref<1000000x64xf32, #tpu.memory_space<hbm>> -> memref<1000000x64xf32, #tpu.memory_space<hbm>>
        tpu.enqueue_indirect_dma source(%dma_start3A_322 : memref<1000000x64xf32, #tpu.memory_space<hbm>>) target(%dma_start3A_316 : memref<128x64xf32, #tpu.memory_space<vmem>>) offsets(%dma_start3A_319 : memref<128xi32, #tpu.memory_space<vmem>>) semaphore(%arg7 : memref<!tpu.dma_semaphore, #tpu.memory_space<semaphore_mem>>)
      } else {
      }
      %mul3A_182 = arith.constant 4 : i32
      %mul3A_183 = arith.muli %add3A_174, %mul3A_182 : i32
      %add3A_184 = arith.constant 0 : i32
      %add3A_185 = arith.addi %mul3A_183, %add3A_184 : i32
      %dma_wait3A_186 = arith.constant 1 : i32
      %dma_wait3A_187 = arith.constant 0 : i32
      %dma_wait3A_188 = arith.constant 0 : i32
      %dma_wait3A_189 = tpu.memref_slice %arg6[%dma_wait3A_186, %dma_wait3A_187, %dma_wait3A_188] : memref<2x512x64xf32, #tpu.memory_space<vmem>> -> memref<1x128x64xf32, #tpu.memory_space<vmem>>
      %dma_wait3A_190 = tpu.memref_squeeze %dma_wait3A_189 : memref<1x128x64xf32, #tpu.memory_space<vmem>> -> memref<128x64xf32, #tpu.memory_space<vmem>>
      %dma_wait3A_191 = arith.constant 0 : i32
      %dma_wait3A_192 = tpu.memref_slice %arg5[%add3A_185, %dma_wait3A_191] : memref<200x128xi32, #tpu.memory_space<vmem>> -> memref<1x128xi32, #tpu.memory_space<vmem>>
      %dma_wait3A_193 = tpu.memref_squeeze %dma_wait3A_192 : memref<1x128xi32, #tpu.memory_space<vmem>> -> memref<128xi32, #tpu.memory_space<vmem>>
      %dma_wait3A_194 = arith.constant 0 : i32
      %dma_wait3A_195 = arith.constant 0 : i32
      %dma_wait3A_196 = tpu.memref_slice %arg2[%dma_wait3A_194, %dma_wait3A_195] : memref<1000000x64xf32, #tpu.memory_space<hbm>> -> memref<1000000x64xf32, #tpu.memory_space<hbm>>
      tpu.wait_indirect_dma semaphore(%arg8 : memref<!tpu.dma_semaphore, #tpu.memory_space<semaphore_mem>>) src(%dma_wait3A_196 : memref<1000000x64xf32, #tpu.memory_space<hbm>>) dst(%dma_wait3A_190 : memref<128x64xf32, #tpu.memory_space<vmem>>)
      %mul3A_197 = arith.constant 4 : i32
      %mul3A_198 = arith.muli %add3A_174, %mul3A_197 : i32
      %add3A_199 = arith.constant 1 : i32
      %add3A_200 = arith.addi %mul3A_198, %add3A_199 : i32
      %dma_wait3A_201 = arith.constant 1 : i32
      %dma_wait3A_202 = arith.constant 128 : i32
      %dma_wait3A_203 = arith.constant 0 : i32
      %dma_wait3A_204 = tpu.memref_slice %arg6[%dma_wait3A_201, %dma_wait3A_202, %dma_wait3A_203] : memref<2x512x64xf32, #tpu.memory_space<vmem>> -> memref<1x128x64xf32, #tpu.memory_space<vmem>>
      %dma_wait3A_205 = tpu.memref_squeeze %dma_wait3A_204 : memref<1x128x64xf32, #tpu.memory_space<vmem>> -> memref<128x64xf32, #tpu.memory_space<vmem>>
      %dma_wait3A_206 = arith.constant 0 : i32
      %dma_wait3A_207 = tpu.memref_slice %arg5[%add3A_200, %dma_wait3A_206] : memref<200x128xi32, #tpu.memory_space<vmem>> -> memref<1x128xi32, #tpu.memory_space<vmem>>
      %dma_wait3A_208 = tpu.memref_squeeze %dma_wait3A_207 : memref<1x128xi32, #tpu.memory_space<vmem>> -> memref<128xi32, #tpu.memory_space<vmem>>
      %dma_wait3A_209 = arith.constant 0 : i32
      %dma_wait3A_210 = arith.constant 0 : i32
      %dma_wait3A_211 = tpu.memref_slice %arg2[%dma_wait3A_209, %dma_wait3A_210] : memref<1000000x64xf32, #tpu.memory_space<hbm>> -> memref<1000000x64xf32, #tpu.memory_space<hbm>>
      tpu.wait_indirect_dma semaphore(%arg8 : memref<!tpu.dma_semaphore, #tpu.memory_space<semaphore_mem>>) src(%dma_wait3A_211 : memref<1000000x64xf32, #tpu.memory_space<hbm>>) dst(%dma_wait3A_205 : memref<128x64xf32, #tpu.memory_space<vmem>>)
      %mul3A_212 = arith.constant 4 : i32
      %mul3A_213 = arith.muli %add3A_174, %mul3A_212 : i32
      %add3A_214 = arith.constant 2 : i32
      %add3A_215 = arith.addi %mul3A_213, %add3A_214 : i32
      %dma_wait3A_216 = arith.constant 1 : i32
      %dma_wait3A_217 = arith.constant 256 : i32
      %dma_wait3A_218 = arith.constant 0 : i32
      %dma_wait3A_219 = tpu.memref_slice %arg6[%dma_wait3A_216, %dma_wait3A_217, %dma_wait3A_218] : memref<2x512x64xf32, #tpu.memory_space<vmem>> -> memref<1x128x64xf32, #tpu.memory_space<vmem>>
      %dma_wait3A_220 = tpu.memref_squeeze %dma_wait3A_219 : memref<1x128x64xf32, #tpu.memory_space<vmem>> -> memref<128x64xf32, #tpu.memory_space<vmem>>
      %dma_wait3A_221 = arith.constant 0 : i32
      %dma_wait3A_222 = tpu.memref_slice %arg5[%add3A_215, %dma_wait3A_221] : memref<200x128xi32, #tpu.memory_space<vmem>> -> memref<1x128xi32, #tpu.memory_space<vmem>>
      %dma_wait3A_223 = tpu.memref_squeeze %dma_wait3A_222 : memref<1x128xi32, #tpu.memory_space<vmem>> -> memref<128xi32, #tpu.memory_space<vmem>>
      %dma_wait3A_224 = arith.constant 0 : i32
      %dma_wait3A_225 = arith.constant 0 : i32
      %dma_wait3A_226 = tpu.memref_slice %arg2[%dma_wait3A_224, %dma_wait3A_225] : memref<1000000x64xf32, #tpu.memory_space<hbm>> -> memref<1000000x64xf32, #tpu.memory_space<hbm>>
      tpu.wait_indirect_dma semaphore(%arg8 : memref<!tpu.dma_semaphore, #tpu.memory_space<semaphore_mem>>) src(%dma_wait3A_226 : memref<1000000x64xf32, #tpu.memory_space<hbm>>) dst(%dma_wait3A_220 : memref<128x64xf32, #tpu.memory_space<vmem>>)
      %mul3A_227 = arith.constant 4 : i32
      %mul3A_228 = arith.muli %add3A_174, %mul3A_227 : i32
      %add3A_229 = arith.constant 3 : i32
      %add3A_230 = arith.addi %mul3A_228, %add3A_229 : i32
      %dma_wait3A_231 = arith.constant 1 : i32
      %dma_wait3A_232 = arith.constant 384 : i32
      %dma_wait3A_233 = arith.constant 0 : i32
      %dma_wait3A_234 = tpu.memref_slice %arg6[%dma_wait3A_231, %dma_wait3A_232, %dma_wait3A_233] : memref<2x512x64xf32, #tpu.memory_space<vmem>> -> memref<1x128x64xf32, #tpu.memory_space<vmem>>
      %dma_wait3A_235 = tpu.memref_squeeze %dma_wait3A_234 : memref<1x128x64xf32, #tpu.memory_space<vmem>> -> memref<128x64xf32, #tpu.memory_space<vmem>>
      %dma_wait3A_236 = arith.constant 0 : i32
      %dma_wait3A_237 = tpu.memref_slice %arg5[%add3A_230, %dma_wait3A_236] : memref<200x128xi32, #tpu.memory_space<vmem>> -> memref<1x128xi32, #tpu.memory_space<vmem>>
      %dma_wait3A_238 = tpu.memref_squeeze %dma_wait3A_237 : memref<1x128xi32, #tpu.memory_space<vmem>> -> memref<128xi32, #tpu.memory_space<vmem>>
      %dma_wait3A_239 = arith.constant 0 : i32
      %dma_wait3A_240 = arith.constant 0 : i32
      %dma_wait3A_241 = tpu.memref_slice %arg2[%dma_wait3A_239, %dma_wait3A_240] : memref<1000000x64xf32, #tpu.memory_space<hbm>> -> memref<1000000x64xf32, #tpu.memory_space<hbm>>
      tpu.wait_indirect_dma semaphore(%arg8 : memref<!tpu.dma_semaphore, #tpu.memory_space<semaphore_mem>>) src(%dma_wait3A_241 : memref<1000000x64xf32, #tpu.memory_space<hbm>>) dst(%dma_wait3A_235 : memref<128x64xf32, #tpu.memory_space<vmem>>)
      %mul3A_242 = arith.constant 512 : i32
      %mul3A_243 = arith.muli %add3A_174, %mul3A_242 : i32
      %dma_start3A_244 = arith.constant 1 : i32
      %dma_start3A_245 = arith.constant 0 : i32
      %dma_start3A_246 = arith.constant 0 : i32
      %dma_start3A_247 = tpu.memref_slice %arg6[%dma_start3A_244, %dma_start3A_245, %dma_start3A_246] : memref<2x512x64xf32, #tpu.memory_space<vmem>> -> memref<1x512x64xf32, #tpu.memory_space<vmem>>
      %dma_start3A_248 = tpu.memref_squeeze %dma_start3A_247 : memref<1x512x64xf32, #tpu.memory_space<vmem>> -> memref<512x64xf32, #tpu.memory_space<vmem>>
      %dma_start3A_249 = arith.constant 0 : i32
      %dma_start3A_250 = tpu.memref_slice %arg4[%add3A, %mul3A_243, %dma_start3A_249] : memref<32x25600x64xf32, #tpu.memory_space<hbm>> -> memref<1x512x64xf32, #tpu.memory_space<hbm>>
      %dma_start3A_251 = tpu.memref_squeeze %dma_start3A_250 : memref<1x512x64xf32, #tpu.memory_space<hbm>> -> memref<512x64xf32, #tpu.memory_space<hbm>>
      %dma_start3A_252 = arith.constant 0 : i32
      %dma_start3A_253 = tpu.memref_slice %arg4[%add3A, %mul3A_243, %dma_start3A_252] : memref<32x25600x64xf32, #tpu.memory_space<hbm>> -> memref<1x512x64xf32, #tpu.memory_space<hbm>>
      %dma_start3A_254 = tpu.memref_squeeze %dma_start3A_253 : memref<1x512x64xf32, #tpu.memory_space<hbm>> -> memref<512x64xf32, #tpu.memory_space<hbm>>
      %dma_start3A_255 = arith.constant 0 : i32
      %dma_start3A_256 = arith.constant 0 : i32
      %dma_start3A_257 = tpu.memref_slice %arg6[%dma_start3A_244, %dma_start3A_255, %dma_start3A_256] : memref<2x512x64xf32, #tpu.memory_space<vmem>> -> memref<1x512x64xf32, #tpu.memory_space<vmem>>
      %dma_start3A_258 = tpu.memref_squeeze %dma_start3A_257 : memref<1x512x64xf32, #tpu.memory_space<vmem>> -> memref<512x64xf32, #tpu.memory_space<vmem>>
      tpu.enqueue_dma source(%dma_start3A_258 : memref<512x64xf32, #tpu.memory_space<vmem>>) target(%dma_start3A_254 : memref<512x64xf32, #tpu.memory_space<hbm>>) target_semaphore(%arg10 : memref<!tpu.dma_semaphore, #tpu.memory_space<semaphore_mem>>)
    }
    %scan3A_51 = arith.constant 25 : i32
    %dma_wait3A = arith.constant 0 : i32
    %dma_wait3A_52 = arith.constant 0 : i32
    %dma_wait3A_53 = arith.constant 0 : i32
    %dma_wait3A_54 = tpu.memref_slice %arg6[%dma_wait3A, %dma_wait3A_52, %dma_wait3A_53] : memref<2x512x64xf32, #tpu.memory_space<vmem>> -> memref<1x512x64xf32, #tpu.memory_space<vmem>>
    %dma_wait3A_55 = tpu.memref_squeeze %dma_wait3A_54 : memref<1x512x64xf32, #tpu.memory_space<vmem>> -> memref<512x64xf32, #tpu.memory_space<vmem>>
    %dma_wait3A_56 = arith.constant 24576 : i32
    %dma_wait3A_57 = arith.constant 0 : i32
    %dma_wait3A_58 = tpu.memref_slice %arg4[%add3A, %dma_wait3A_56, %dma_wait3A_57] : memref<32x25600x64xf32, #tpu.memory_space<hbm>> -> memref<1x512x64xf32, #tpu.memory_space<hbm>>
    %dma_wait3A_59 = tpu.memref_squeeze %dma_wait3A_58 : memref<1x512x64xf32, #tpu.memory_space<hbm>> -> memref<512x64xf32, #tpu.memory_space<hbm>>
    %dma_wait3A_60 = arith.constant 24576 : i32
    %dma_wait3A_61 = arith.constant 0 : i32
    %dma_wait3A_62 = tpu.memref_slice %arg4[%add3A, %dma_wait3A_60, %dma_wait3A_61] : memref<32x25600x64xf32, #tpu.memory_space<hbm>> -> memref<1x512x64xf32, #tpu.memory_space<hbm>>
    %dma_wait3A_63 = tpu.memref_squeeze %dma_wait3A_62 : memref<1x512x64xf32, #tpu.memory_space<hbm>> -> memref<512x64xf32, #tpu.memory_space<hbm>>
    %dma_wait3A_64 = arith.constant 0 : i32
    %dma_wait3A_65 = arith.constant 0 : i32
    %dma_wait3A_66 = tpu.memref_slice %arg6[%dma_wait3A, %dma_wait3A_64, %dma_wait3A_65] : memref<2x512x64xf32, #tpu.memory_space<vmem>> -> memref<1x512x64xf32, #tpu.memory_space<vmem>>
    %dma_wait3A_67 = tpu.memref_squeeze %dma_wait3A_66 : memref<1x512x64xf32, #tpu.memory_space<vmem>> -> memref<512x64xf32, #tpu.memory_space<vmem>>
    tpu.wait_dma2 semaphore(%arg9 : memref<!tpu.dma_semaphore, #tpu.memory_space<semaphore_mem>>) src(%dma_wait3A_67 : memref<512x64xf32, #tpu.memory_space<vmem>>) dst(%dma_wait3A_63 : memref<512x64xf32, #tpu.memory_space<hbm>>)
    %dma_wait3A_68 = arith.constant 1 : i32
    %dma_wait3A_69 = arith.constant 0 : i32
    %dma_wait3A_70 = arith.constant 0 : i32
    %dma_wait3A_71 = tpu.memref_slice %arg6[%dma_wait3A_68, %dma_wait3A_69, %dma_wait3A_70] : memref<2x512x64xf32, #tpu.memory_space<vmem>> -> memref<1x512x64xf32, #tpu.memory_space<vmem>>
    %dma_wait3A_72 = tpu.memref_squeeze %dma_wait3A_71 : memref<1x512x64xf32, #tpu.memory_space<vmem>> -> memref<512x64xf32, #tpu.memory_space<vmem>>
    %dma_wait3A_73 = arith.constant 25088 : i32
    %dma_wait3A_74 = arith.constant 0 : i32
    %dma_wait3A_75 = tpu.memref_slice %arg4[%add3A, %dma_wait3A_73, %dma_wait3A_74] : memref<32x25600x64xf32, #tpu.memory_space<hbm>> -> memref<1x512x64xf32, #tpu.memory_space<hbm>>
    %dma_wait3A_76 = tpu.memref_squeeze %dma_wait3A_75 : memref<1x512x64xf32, #tpu.memory_space<hbm>> -> memref<512x64xf32, #tpu.memory_space<hbm>>
    %dma_wait3A_77 = arith.constant 25088 : i32
    %dma_wait3A_78 = arith.constant 0 : i32
    %dma_wait3A_79 = tpu.memref_slice %arg4[%add3A, %dma_wait3A_77, %dma_wait3A_78] : memref<32x25600x64xf32, #tpu.memory_space<hbm>> -> memref<1x512x64xf32, #tpu.memory_space<hbm>>
    %dma_wait3A_80 = tpu.memref_squeeze %dma_wait3A_79 : memref<1x512x64xf32, #tpu.memory_space<hbm>> -> memref<512x64xf32, #tpu.memory_space<hbm>>
    %dma_wait3A_81 = arith.constant 0 : i32
    %dma_wait3A_82 = arith.constant 0 : i32
    %dma_wait3A_83 = tpu.memref_slice %arg6[%dma_wait3A_68, %dma_wait3A_81, %dma_wait3A_82] : memref<2x512x64xf32, #tpu.memory_space<vmem>> -> memref<1x512x64xf32, #tpu.memory_space<vmem>>
    %dma_wait3A_84 = tpu.memref_squeeze %dma_wait3A_83 : memref<1x512x64xf32, #tpu.memory_space<vmem>> -> memref<512x64xf32, #tpu.memory_space<vmem>>
    tpu.wait_dma2 semaphore(%arg10 : memref<!tpu.dma_semaphore, #tpu.memory_space<semaphore_mem>>) src(%dma_wait3A_84 : memref<512x64xf32, #tpu.memory_space<vmem>>) dst(%dma_wait3A_80 : memref<512x64xf32, #tpu.memory_space<hbm>>)
    return
  }
}

</mosaic_0001>

<sc_bundles>
// kernel: kernel.3.cloned.1.call-start
scs
__scs_entry_jumppad:
0x0: {  	(pc) =	sbr.rel $0x88, $3  }
0x1: {  	(tag) =	ssettag $0x0;
	lr =	simm.s32 $0x1  }
0x2: {  	[smem:$0x3F9F] =	sst lr;
	_ =	strace $0xD0000000  }
0x3: {  	_ = 	snop  }
0x4: {  	_ = 	snop  }
0x5: {  	_ = 	snop  }
0x6: {  	_ = 	snop  }
0x7: {  	_ = 	snop  }
__scs_overlays_trampoline_lowered:
0x8: {  	[smem:$0x3FAE] =	sst s0  }
0x9: {  	[smem:$0x3FAF] =	sst s1  }
0xa: {  	[smem:$0x3FB0] =	sst s2  }
0xb: {  	[smem:$0x3FB1] =	sst s3  }
0xc: {  	[smem:$0x3FB2] =	sst s4  }
0xd: {  	[smem:$0x3FB3] =	sst s5  }
0xe: {  	[smem:$0x3FB4] =	sst s6  }
0xf: {  	[smem:$0x3FB5] =	sst s7  }
0x10: {  	[smem:$0x3FB6] =	sst s8  }
0x11: {  	[smem:$0x3FB7] =	sst s9;
	s0 =	simm.s32 @!p0 $0x0  }
0x12: {  	s1 =	sld [smem:$0x3F9D];
	s0 =	simm.s32 @p0 $0x1  }
0x13: {  	[smem:$0x3FB8] =	sst s0;
	s0 =	simm.s32 @!p1 $0x0  }
0x14: {  	s2 =	sld [smem:$0x3F9C];
	s0 =	simm.s32 @p1 $0x1  }
0x15: {  	[smem:$0x3FB9] =	sst s0;
	s0 =	simm.s32 @!p2 $0x0  }
0x16: {  	s3 =	sld [smem:$0x3FDB];
	s0 =	simm.s32 @p2 $0x1  }
0x17: {  	s4 =	simm.s32 $0x1BF5;
	[smem:$0x3FBB] =	sst s0  }
0x18: {  	s0 =	sld [smem:$0x3F9E];
	_ =	swait.ge [sflag:s4], $0x0  }
0x19: {  	s7 =	sld [smem:$0x3F9F]  }
0x1a: {  	s8 =	sadd.s32 $0xFFFFE003, lr  }
0x1b: {  	s9 =	sadd.s32 $0xFFFFFEF7, lr;
	s5 =	simm.s32 $0xFFFFFFFF;
	p2 =	slt.u32 s8, $0xFFFFF086  }
0x1c: {  	p1 =	slt.u32 s9, $0xF7A;
	s5 =	simm.s32 @!p2 $0x0  }
0x1d: {  	s5 =	simm.s32 @p1 $0x1;
	p0 =	seq.s32 s7, s2  }
0x1e: {  	s7 =	smul.u32 @!p0 $0xF7A, s2;
	p2 =	seq.s32 @!p0 s5, $0x0  }
0x1f: {  	s9 =	smul.u32 $0xF7A, s1;
	s8 =	simm.s32 @!p0 $0x1BF5;
	p2 =	por !p2, p0  }
0x20: {  	[sflag:s8] =	ssyncset.s32 @!p0 $0xFFFFF086;
	s6 =	sadd.s32 @!p0 s3, s7;
	s7 =	simm.s32 @!p0 $0x108  }
0x21: {  	s3 =	sadd.s32 s3, s9;
	s6 =	sadd.s32 @!p0 $0x88, s6;
	s7 =	simm.s32 @p2 $0x1082  }
0x22: {  	[simem:s7], [sflag:s8] =	dma.local @!p0 [hbm:s6], $0xF7A  }
0x23: {  	s9 =	sor.u32 $0xD0000000, s2;
	s6 =	simm.s32 $0x108;
	_ =	swait.ge @!p0 [sflag:s8], $0x0  }
0x24: {  	s3 =	sadd.s32 $0x88, s3;
	s6 =	simm.s32 @!p1 $0x1082;
	[sflag:s4] =	ssyncset.s32 $0xFFFFF086  }
0x25: {  	[simem:s6], [sflag:s4] =	dma.local [hbm:s3], $0xF7A  }
0x26: {  	[smem:$0x3F9F] =	sst s1;
	(tag) =	ssettag s2;
	_ =	strace s9  }
0x27: {  	s1 =	sld [smem:$0x3FAF]  }
0x28: {  	s2 =	sld [smem:$0x3FB0]  }
0x29: {  	s4 =	sld [smem:$0x3FB2]  }
0x2a: {  	p0 =	seq.s32 s5, $0x0;
	s5 =	sld [smem:$0x3FB3]  }
0x2b: {  	s6 =	sld [smem:$0x3FB4]  }
0x2c: {  	s7 =	sld [smem:$0x3FB5]  }
0x2d: {  	s3 =	simm.s32 $0x108;
	s8 =	sld [smem:$0x3FB6]  }
0x2e: {  	s3 =	simm.s32 @!p0 $0x1082;
	s9 =	sld [smem:$0x3FB7]  }
0x2f: {  	lr =	sadd.s32 s0, s3;
	s0 =	sld [smem:$0x3FAE]  }
0x30: {  	s3 =	sld [smem:$0x3FB1]  }
0x31: {  	[smem:$0x3FBA] =	sst s10  }
0x32: {  	s10 =	sld [smem:$0x3FB8];
	_ =	sdelay $0x3  }
0x33: {  	p0 =	seq.s32 s10, $0x1;
	s10 =	sld [smem:$0x3FBA];
	_ =	sdelay $0x3  }
0x34: {  	[smem:$0x3FBA] =	sst s10  }
0x35: {  	s10 =	sld [smem:$0x3FB9];
	_ =	sdelay $0x3  }
0x36: {  	p1 =	seq.s32 s10, $0x1;
	s10 =	sld [smem:$0x3FBA];
	_ =	sdelay $0x3  }
0x37: {  	[smem:$0x3FBA] =	sst s10  }
0x38: {  	s10 =	sld [smem:$0x3FBB]  }
0x39: {  	_ = 	snop;
	(pc) =	sbr.ind lr, $3  }
0x3a: {  	_ = 	snop  }
0x3b: {  	_ = 	snop  }
0x3c: {  	p2 =	seq.s32 s10, $0x1;
	s10 =	sld [smem:$0x3FBA]  }
0x3d: {  	_ =	shalt  }
0x3e: {  	_ =	shalt  }
0x3f: {  	_ =	shalt  }
0x40: {  	_ =	shalt  }
0x41: {  	_ =	shalt  }
0x42: {  	_ =	shalt  }
0x43: {  	_ =	shalt  }
0x44: {  	_ =	shalt  }
0x45: {  	_ =	shalt  }
0x46: {  	_ =	shalt  }
0x47: {  	_ =	shalt  }
0x48: {  	_ =	shalt  }
0x49: {  	_ =	shalt  }
0x4a: {  	_ =	shalt  }
0x4b: {  	_ =	shalt  }
0x4c: {  	_ =	shalt  }
0x4d: {  	_ =	shalt  }
0x4e: {  	_ =	shalt  }
0x4f: {  	_ =	shalt  }
0x50: {  	_ =	shalt  }
0x51: {  	_ =	shalt  }
0x52: {  	_ =	shalt  }
0x53: {  	_ =	shalt  }
0x54: {  	_ =	shalt  }
0x55: {  	_ =	shalt  }
0x56: {  	_ =	shalt  }
0x57: {  	_ =	shalt  }
0x58: {  	_ =	shalt  }
0x59: {  	_ =	shalt  }
0x5a: {  	_ =	shalt  }
0x5b: {  	_ =	shalt  }
0x5c: {  	_ =	shalt  }
0x5d: {  	_ =	shalt  }
0x5e: {  	_ =	shalt  }
0x5f: {  	_ =	shalt  }
0x60: {  	_ =	shalt  }
0x61: {  	_ =	shalt  }
0x62: {  	_ =	shalt  }
0x63: {  	_ =	shalt  }
0x64: {  	_ =	shalt  }
0x65: {  	_ =	shalt  }
0x66: {  	_ =	shalt  }
0x67: {  	_ =	shalt  }
0x68: {  	_ =	shalt  }
0x69: {  	_ =	shalt  }
0x6a: {  	_ =	shalt  }
0x6b: {  	_ =	shalt  }
0x6c: {  	_ =	shalt  }
0x6d: {  	_ =	shalt  }
0x6e: {  	_ =	shalt  }
0x6f: {  	_ =	shalt  }
0x70: {  	_ =	shalt  }
0x71: {  	_ =	shalt  }
0x72: {  	_ =	shalt  }
0x73: {  	_ =	shalt  }
0x74: {  	_ =	shalt  }
0x75: {  	_ =	shalt  }
0x76: {  	_ =	shalt  }
0x77: {  	_ =	shalt  }
0x78: {  	_ =	shalt  }
0x79: {  	_ =	shalt  }
0x7a: {  	_ =	shalt  }
0x7b: {  	_ =	shalt  }
0x7c: {  	_ =	shalt  }
0x7d: {  	_ =	shalt  }
0x7e: {  	_ =	shalt  }
0x7f: {  	_ =	shalt  }
0x80: {  	_ =	shalt  }
0x81: {  	_ =	shalt  }
0x82: {  	_ =	shalt  }
0x83: {  	_ =	shalt  }
0x84: {  	_ =	shalt  }
0x85: {  	_ =	shalt  }
0x86: {  	_ =	shalt  }
0x87: {  	_ =	shalt  }
.Lfunc_end0:
.L_simem_size_0:
called_computation.1_lowered:
.L_overlay_start_0:
0x88: {  	s2 =	sld [smem:$0x3FD9]  }
0x89: {  	s3 =	sld [smem:$0x3FFE];
	_ =	sdelay $0x1  }
0x8a: {  	s1 =	srdreg.scid  }
0x8b: {  	s0 =	sand.u32 $0x1, s1  }
0x8c: {  	s17 =	sshll.u32 s0, $0xA;
	s2 =	sadd.s32 s3, s2  }
0x8d: {  	s2 =	sadd.s32 s2, s17  }
0x8e: {  	[smem:$0x3FC6] =	sst s2  }
0x8f: {  	_ = 	snop  }
0x90: {  	s2 =	sld [smem:$0x3FD0];
	(tm) =	ssettm $0x1  }
0x91: {  	s18 =	sld [smem:$0x3FFB];
	_ =	sdelay $0x3  }
0x92: {  	_ =	strace s18  }
0x93: {  	s3 =	sld [smem:$0x3FFC];
	_ =	sdelay $0x3  }
0x94: {  	_ =	strace s3  }
0x95: {  	s3 =	sld [smem:$0x3FFD];
	_ =	sdelay $0x3  }
0x96: {  	_ =	strace s3  }
0x97: {  	_ =	strace $0x8FFFFFFF  }
0x98: {  	s19 =	sld [smem:$0x3FDB];
	_ =	sdelay $0x1  }
0x99: {  	s4 =	simm.s32 $_scs_section_size  }
0x9a: {  	s5 =	simm.s32 $_size__tile_overlayer_lowered;
	s6 =	simm.s32 $_tile_overlayer_lowered  }
0x9b: {  	s22 =	simm.s32 $0x1BFF;
	s21 =	sshll.u32 s6, $0x1;
	s3 =	sadd.s32 s4, s19  }
0x9c: {  	s7 =	simm.s32 $0x0;
	s20 =	sshll.u32 s5, $0x1;
	s5 =	sadd.s32 s21, s3  }
0x9d: {  	[timem:s7], [sflag:s22] =	dma.local [hbm:s5], s20  }
0x9e: {  	_ =	swait.ge [sflag:s22], s20  }
0x9f: {  	s4 =	ssub.s32 $0x0, s20;
	[sflag:s22] =	ssyncset.done $0x0  }
0xa0: {  	[sflag:s22] =	ssyncadd.s32 s4;
	_ =	sdelay $0x1  }
0xa1: {  	s23 =	simm.s32 $0x1B8B  }
0xa2: {  	_ =	swait.ge [sflag:s23], $0x1  }
0xa3: {  	[sflag:s23] =	ssyncset.done $0x0  }
0xa4: {  	s25 =	simm.s32 $0x1B8E;
	s24 =	sld [smem:$0x3FFE];
	[sflag:s23] =	ssyncadd.s32 $0xFFFFFFFF  }
0xa5: {  	s26 =	simm.s32 $execute0_lowered;
	[smem:$0x3FD2] =	sst s25  }
0xa6: {  	s5 =	sshll.u32 s26, $0x1;
	_ =	strace $0x80000046;
	[dreg:$0x1] =	wrdreg $0xFFFFFFFF  }
0xa7: {  	s28 =	simm.s32 $_size_execute0_lowered;
	s3 =	sadd.s32 s3, s5;
	[dreg:$0x0] =	wrdreg $0x0  }
0xa8: {  	s5 =	sshll.u32 s28, $0x1;
	[dreg:$0x2] =	wrdreg s3  }
0xa9: {  	[dreg:$0x3] =	wrdreg s5  }
0xaa: {  	[dreg:$0x4] =	wrdreg $0xC0  }
0xab: {  	_ =	task [dreg:s7], $0x5FFFF  }
0xac: {  	[dreg:$0x1] =	wrdreg $0xFFFFFFFF  }
0xad: {  	[dreg:$0x0] =	wrdreg $0x60  }
0xae: {  	[dreg:$0x2] =	wrdreg s24  }
0xaf: {  	[dreg:$0x3] =	wrdreg s2  }
0xb0: {  	[dreg:$0x4] =	wrdreg $0x9  }
0xb1: {  	_ =	task.clear_ibuf [dreg:s7], $0x5FFFF;
	_ =	strace $0x90000046  }
0xb2: {  	s29 =	simm.s32 $0x9;
	_ =	strace $0x80000048  }
0xb3: {  	_ =	swait.ge [sflag:s29], $0x1  }
0xb4: {  	[sflag:s29] =	ssyncadd.s32 $0xFFFFFFFF  }
0xb5: {  	_ =	strace $0x90000048  }
0xb6: {  	_ =	sfence  }
0xb7: {  	s30 =	sld [smem:$0x0];
	_ =	sdelay $0x2  }
0xb8: {  	s31 =	sshll.u32 s1, $0xD;
	s1 =	sshrl.u32 s1, $0x2  }
0xb9: {  	s3 =	sand.u32 $0x4000, s31;
	s1 =	sadd.s32 s1, s30  }
0xba: {  	s0 =	sor.u32 s3, s0;
	s1 =	sshll.u32 s1, $0x11  }
0xbb: {  	s0 =	sor.u32 s1, s0  }
0xbc: {  	s0 =	sadd.s32 $0x8F2B, s0  }
0xbd: {  	[sflag:s0] =	ssyncadd.remote.s32 $0x1  }
0xbe: {  	_ =	sfence.sel $0xFFFF  }
0xbf: {  	[dreg:$0x0] =	wrdreg $0xFFFFFFFF;
	(pc) =	sbr.abs _section_cstart, $3  }
0xc0: {  	[dreg:$0x1] =	wrdreg $0xFFFFFFFF  }
0xc1: {  	_ =	task.clear_ibuf [dreg:s7], $0x2FFFF;
	_ =	strace $0x9FFFFFFF  }
0xc2: {  	(tm) =	ssettm $0x7FFFFFFF  }
0xc3: {  	_ =	shalt  }
tec
execute0_lowered:
.L_overlay_start_1:
0x0: {  	(tag) =	ssettag $0x1  }
0x1: {  	s0 =	rddreg [dreg:$0x0];
	s1 =	srdreg.scid  }
0x2: {  	s8 =	stileid.u32;
	s2 =	rddreg [dreg:$0x1];
	s3 =	simm.s32 $0x0  }
0x3: {  	s13 =	simm.s32 $0x5;
	s14 =	simm.s32 $0x80;
	s15 =	simm.s32 $0x6400  }
0x4: {  	s16 =	simm.s32 $0x8400;
	s18 =	simm.s32 $0xA400;
	s20 =	simm.s32 $0xC400  }
0x5: {  	s22 =	simm.s32 $0xE400;
	s29 =	simm.s32 $0x14400;
	s30 =	simm.s32 $0x1  }
0x6: {  	s31 =	simm.s32 $0x3;
	s21 =	simm.s32 $0x2;
	s23 =	simm.s32 $0x4  }
0x7: {  	s1 =	sand.u32 $0x1, s1;
	s4 =	sshll.u32 s8, $0x1;
	s8 =	smul.u32 $0x320000, s8  }
0x8: {  	s4 =	sor.u32 s1, s4;
	s7 =	ssub.s32 $0x2, s1;
	s1 =	smul.u32 $0x190000, s1  }
0x9: {  	s17 =	simm.s32 $0x0;
	[smem:$0x7FF] =	sst s3;
	s5 =	smul.u32 $0xC80, s4  }
0xa: {  	_ =	strace $0x80000047;
	s6 =	smul.u32 $0x190000, s4;
	s24 =	sshrl.u32 s7, $0x1  }
0xb: {  	s4 =	sadd.s32 $0xF42E00, s0;
	s7 =	ssub.s32 s7, s24;
	s26 =	sadd.s32 s1, s8  }
0xc: {  	s24 =	simm.s32 $0x10400;
	s0 =	sadd.s32 s5, s0;
	s25 =	sshrl.u32 s6, $0x3  }
0xd: {  	s6 =	smax.u32 s7, $0x1;
	s1 =	sadd.s32 $0x18000, s26;
	s11 =	sadd.s32 $0x10000, s26  }
0xe: {  	s26 =	simm.s32 $0x12400;
	s0 =	sadd.s32 $0xA00, s0;
	s7 =	sadd.s32 s2, s25  }
0xf: {  	s28 =	sshrl.u32 s1, $0x3;
	[dreg:$0x3] =	wrdreg s0;
	s8 =	sadd.s32 $0x1000, s7  }
0x10: {  	s9 =	sadd.s32 $0x30000, s7;
	s10 =	sadd.s32 $0x31000, s7;
	s1 =	sadd.s32 s28, s2  }
.LBB2_1:
0x11: {  	s0 =	rddreg [dreg:$0x3]  }
0x12: {  	[tilespmem:s3], [sflag:$0x5] =	stream.linear.gather [hbm4b:s0+s3], $0x6400, $0x38;
	[tilespmem:$0x16400] =	vst v63  }
0x13: {  	_ =	swait.ge [sflag:s13], $0x6400  }
0x14: {  	[sflag:s13] =	ssyncset.done $0x0  }
0x15: {  	[sflag:s13] =	ssyncadd.s32 $0xFFFF9C00  }
0x16: {  	[tilespmem:s15], [sflag:$0x1] =	stream.indirect.gather [hbm4b:s4+s14], $0x40, s3, s14, $0xb8;
	[tilespmem:$0x16400] =	vst v63  }
0x17: {  	_ = 	snop  }
0x18: {  	[tilespmem:s16], [sflag:$0x1] =	stream.indirect.gather [hbm4b:s4+s14], $0x40, s14, s14, $0xb8;
	[tilespmem:$0x16400] =	vst v63  }
0x19: {  	s12 =	simm.s32 $0x100  }
0x1a: {  	[tilespmem:s18], [sflag:$0x1] =	stream.indirect.gather [hbm4b:s4+s14], $0x40, s12, s14, $0xb8;
	[tilespmem:$0x16400] =	vst v63  }
0x1b: {  	s19 =	simm.s32 $0x180  }
0x1c: {  	[tilespmem:s20], [sflag:$0x1] =	stream.indirect.gather [hbm4b:s4+s14], $0x40, s19, s14, $0xb8;
	[tilespmem:$0x16400] =	vst v63  }
0x1d: {  	s25 =	simm.s32 $0x200  }
0x1e: {  	[tilespmem:s22], [sflag:$0x2] =	stream.indirect.gather [hbm4b:s4+s14], $0x40, s25, s14, $0xb8;
	[tilespmem:$0x16400] =	vst v63  }
0x1f: {  	s5 =	simm.s32 $0x280  }
0x20: {  	[tilespmem:s24], [sflag:$0x2] =	stream.indirect.gather [hbm4b:s4+s14], $0x40, s5, s14, $0xb8;
	[tilespmem:$0x16400] =	vst v63  }
0x21: {  	s12 =	simm.s32 $0x300  }
0x22: {  	[tilespmem:s26], [sflag:$0x2] =	stream.indirect.gather [hbm4b:s4+s14], $0x40, s12, s14, $0xb8;
	[tilespmem:$0x16400] =	vst v63  }
0x23: {  	s19 =	simm.s32 $0x380  }
0x24: {  	[tilespmem:s29], [sflag:$0x2] =	stream.indirect.gather [hbm4b:s4+s14], $0x40, s19, s14, $0xb8;
	[tilespmem:$0x16400] =	vst v63  }
0x25: {  	_ =	swait.ge [sflag:s30], $0x2000  }
0x26: {  	[sflag:s30] =	ssyncset.done $0x0  }
0x27: {  	[sflag:s30] =	ssyncadd.s32 $0xFFFFE000  }
0x28: {  	_ =	swait.ge [sflag:s30], $0x2000  }
0x29: {  	[sflag:s30] =	ssyncset.done $0x0  }
0x2a: {  	[sflag:s30] =	ssyncadd.s32 $0xFFFFE000  }
0x2b: {  	_ =	swait.ge [sflag:s30], $0x2000  }
0x2c: {  	[sflag:s30] =	ssyncset.done $0x0  }
0x2d: {  	[sflag:s30] =	ssyncadd.s32 $0xFFFFE000  }
0x2e: {  	_ =	swait.ge [sflag:s30], $0x2000  }
0x2f: {  	[sflag:s30] =	ssyncset.done $0x0  }
0x30: {  	[sflag:s30] =	ssyncadd.s32 $0xFFFFE000  }
0x31: {  	[hbm4b:s7+s3] =	stream.linear.scatter [tilespmem:s15], [sflag:$0x3], $0x8000, $0x38;
	[tilespmem:$0x16400] =	vst v63  }
0x32: {  	_ =	swait.ge [sflag:s31], $0x8000  }
0x33: {  	[sflag:s31] =	ssyncset.done $0x0  }
0x34: {  	s25 =	simm.s32 $0x400;
	[sflag:s31] =	ssyncadd.s32 $0xFFFF8000  }
0x35: {  	[tilespmem:s15], [sflag:$0x1] =	stream.indirect.gather [hbm4b:s4+s14], $0x40, s25, s14, $0xb8;
	[tilespmem:$0x16400] =	vst v63  }
0x36: {  	s5 =	simm.s32 $0x480  }
0x37: {  	[tilespmem:s16], [sflag:$0x1] =	stream.indirect.gather [hbm4b:s4+s14], $0x40, s5, s14, $0xb8;
	[tilespmem:$0x16400] =	vst v63  }
0x38: {  	s12 =	simm.s32 $0x500  }
0x39: {  	[tilespmem:s18], [sflag:$0x1] =	stream.indirect.gather [hbm4b:s4+s14], $0x40, s12, s14, $0xb8;
	[tilespmem:$0x16400] =	vst v63  }
0x3a: {  	s19 =	simm.s32 $0x580  }
0x3b: {  	[tilespmem:s20], [sflag:$0x1] =	stream.indirect.gather [hbm4b:s4+s14], $0x40, s19, s14, $0xb8;
	[tilespmem:$0x16400] =	vst v63  }
0x3c: {  	_ =	swait.ge [sflag:s21], $0x2000  }
0x3d: {  	[sflag:s21] =	ssyncset.done $0x0  }
0x3e: {  	[sflag:s21] =	ssyncadd.s32 $0xFFFFE000  }
0x3f: {  	_ =	swait.ge [sflag:s21], $0x2000  }
0x40: {  	[sflag:s21] =	ssyncset.done $0x0  }
0x41: {  	[sflag:s21] =	ssyncadd.s32 $0xFFFFE000  }
0x42: {  	_ =	swait.ge [sflag:s21], $0x2000  }
0x43: {  	[sflag:s21] =	ssyncset.done $0x0  }
0x44: {  	[sflag:s21] =	ssyncadd.s32 $0xFFFFE000  }
0x45: {  	_ =	swait.ge [sflag:s21], $0x2000  }
0x46: {  	[sflag:s21] =	ssyncset.done $0x0  }
0x47: {  	[sflag:s21] =	ssyncadd.s32 $0xFFFFE000  }
0x48: {  	[hbm4b:s8+s3] =	stream.linear.scatter [tilespmem:s22], [sflag:$0x4], $0x8000, $0x38;
	[tilespmem:$0x16400] =	vst v63  }
0x49: {  	_ =	swait.ge [sflag:s23], $0x8000  }
0x4a: {  	[sflag:s23] =	ssyncset.done $0x0  }
0x4b: {  	s25 =	simm.s32 $0x600;
	[sflag:s23] =	ssyncadd.s32 $0xFFFF8000  }
0x4c: {  	[tilespmem:s22], [sflag:$0x2] =	stream.indirect.gather [hbm4b:s4+s14], $0x40, s25, s14, $0xb8;
	[tilespmem:$0x16400] =	vst v63  }
0x4d: {  	s5 =	simm.s32 $0x680  }
0x4e: {  	[tilespmem:s24], [sflag:$0x2] =	stream.indirect.gather [hbm4b:s4+s14], $0x40, s5, s14, $0xb8;
	[tilespmem:$0x16400] =	vst v63  }
0x4f: {  	s12 =	simm.s32 $0x700  }
0x50: {  	[tilespmem:s26], [sflag:$0x2] =	stream.indirect.gather [hbm4b:s4+s14], $0x40, s12, s14, $0xb8;
	[tilespmem:$0x16400] =	vst v63  }
0x51: {  	s19 =	simm.s32 $0x780  }
0x52: {  	[tilespmem:s29], [sflag:$0x2] =	stream.indirect.gather [hbm4b:s4+s14], $0x40, s19, s14, $0xb8;
	[tilespmem:$0x16400] =	vst v63  }
0x53: {  	_ =	swait.ge [sflag:s30], $0x2000  }
0x54: {  	[sflag:s30] =	ssyncset.done $0x0  }
0x55: {  	[sflag:s30] =	ssyncadd.s32 $0xFFFFE000  }
0x56: {  	_ =	swait.ge [sflag:s30], $0x2000  }
0x57: {  	[sflag:s30] =	ssyncset.done $0x0  }
0x58: {  	[sflag:s30] =	ssyncadd.s32 $0xFFFFE000  }
0x59: {  	_ =	swait.ge [sflag:s30], $0x2000  }
0x5a: {  	[sflag:s30] =	ssyncset.done $0x0  }
0x5b: {  	[sflag:s30] =	ssyncadd.s32 $0xFFFFE000  }
0x5c: {  	_ =	swait.ge [sflag:s30], $0x2000  }
0x5d: {  	s25 =	sshrl.u32 s11, $0x3;
	[sflag:s30] =	ssyncset.done $0x0  }
0x5e: {  	s0 =	sadd.s32 s2, s25;
	[sflag:s30] =	ssyncadd.s32 $0xFFFFE000  }
0x5f: {  	[hbm4b:s0+s3] =	stream.linear.scatter [tilespmem:s15], [sflag:$0x3], $0x8000, $0x38;
	[tilespmem:$0x16400] =	vst v63  }
0x60: {  	_ =	swait.ge [sflag:s31], $0x8000  }
0x61: {  	[sflag:s31] =	ssyncset.done $0x0  }
0x62: {  	s5 =	simm.s32 $0x800;
	[sflag:s31] =	ssyncadd.s32 $0xFFFF8000  }
0x63: {  	[tilespmem:s15], [sflag:$0x1] =	stream.indirect.gather [hbm4b:s4+s14], $0x40, s5, s14, $0xb8;
	[tilespmem:$0x16400] =	vst v63  }
0x64: {  	s12 =	simm.s32 $0x880  }
0x65: {  	[tilespmem:s16], [sflag:$0x1] =	stream.indirect.gather [hbm4b:s4+s14], $0x40, s12, s14, $0xb8;
	[tilespmem:$0x16400] =	vst v63  }
0x66: {  	s19 =	simm.s32 $0x900  }
0x67: {  	[tilespmem:s18], [sflag:$0x1] =	stream.indirect.gather [hbm4b:s4+s14], $0x40, s19, s14, $0xb8;
	[tilespmem:$0x16400] =	vst v63  }
0x68: {  	s25 =	simm.s32 $0x980  }
0x69: {  	[tilespmem:s20], [sflag:$0x1] =	stream.indirect.gather [hbm4b:s4+s14], $0x40, s25, s14, $0xb8;
	[tilespmem:$0x16400] =	vst v63  }
0x6a: {  	_ =	swait.ge [sflag:s21], $0x2000  }
0x6b: {  	[sflag:s21] =	ssyncset.done $0x0  }
0x6c: {  	[sflag:s21] =	ssyncadd.s32 $0xFFFFE000  }
0x6d: {  	_ =	swait.ge [sflag:s21], $0x2000  }
0x6e: {  	[sflag:s21] =	ssyncset.done $0x0  }
0x6f: {  	[sflag:s21] =	ssyncadd.s32 $0xFFFFE000  }
0x70: {  	_ =	swait.ge [sflag:s21], $0x2000  }
0x71: {  	[sflag:s21] =	ssyncset.done $0x0  }
0x72: {  	[sflag:s21] =	ssyncadd.s32 $0xFFFFE000  }
0x73: {  	_ =	swait.ge [sflag:s21], $0x2000  }
0x74: {  	s28 =	sadd.s32 $0x2000, s1;
	s12 =	smov.u32 s1;
	[sflag:s21] =	ssyncset.done $0x0  }
0x75: {  	s19 =	simm.s32 $0x1000;
	s25 =	sadd.s32 $0x10000, s11;
	[sflag:s21] =	ssyncadd.s32 $0xFFFFE000  }
.LBB2_2:
0x76: {  	[hbm4b:s12+s3] =	stream.linear.scatter [tilespmem:s22], [sflag:$0x4], $0x8000, $0x38;
	[tilespmem:$0x16400] =	vst v63  }
0x77: {  	s0 =	smov.u32 s19;
	s12 =	smov.u32 s28  }
0x78: {  	p0 =	sne.s32 s19, $0x16000;
	s19 =	sadd.s32 $0x1000, s19;
	_ =	swait.ge [sflag:s23], $0x8000  }
0x79: {  	s0 =	sshra.s32 s0, $0x2;
	[sflag:s23] =	ssyncset.done $0x0  }
0x7a: {  	s5 =	sadd.s32 $0x600, s0;
	[sflag:s23] =	ssyncadd.s32 $0xFFFF8000  }
0x7b: {  	[tilespmem:s22], [sflag:$0x2] =	stream.indirect.gather [hbm4b:s4+s14], $0x40, s5, s14, $0xb8;
	[tilespmem:$0x16400] =	vst v63  }
0x7c: {  	s5 =	sadd.s32 $0x680, s0  }
0x7d: {  	[tilespmem:s24], [sflag:$0x2] =	stream.indirect.gather [hbm4b:s4+s14], $0x40, s5, s14, $0xb8;
	[tilespmem:$0x16400] =	vst v63  }
0x7e: {  	s5 =	sadd.s32 $0x700, s0  }
0x7f: {  	[tilespmem:s26], [sflag:$0x2] =	stream.indirect.gather [hbm4b:s4+s14], $0x40, s5, s14, $0xb8;
	[tilespmem:$0x16400] =	vst v63  }
0x80: {  	s5 =	sadd.s32 $0x780, s0  }
0x81: {  	[tilespmem:s29], [sflag:$0x2] =	stream.indirect.gather [hbm4b:s4+s14], $0x40, s5, s14, $0xb8;
	[tilespmem:$0x16400] =	vst v63  }
0x82: {  	_ =	swait.ge [sflag:s30], $0x2000  }
0x83: {  	[sflag:s30] =	ssyncset.done $0x0  }
0x84: {  	[sflag:s30] =	ssyncadd.s32 $0xFFFFE000  }
0x85: {  	_ =	swait.ge [sflag:s30], $0x2000  }
0x86: {  	[sflag:s30] =	ssyncset.done $0x0  }
0x87: {  	[sflag:s30] =	ssyncadd.s32 $0xFFFFE000  }
0x88: {  	_ =	swait.ge [sflag:s30], $0x2000  }
0x89: {  	[sflag:s30] =	ssyncset.done $0x0  }
0x8a: {  	[sflag:s30] =	ssyncadd.s32 $0xFFFFE000  }
0x8b: {  	_ =	swait.ge [sflag:s30], $0x2000  }
0x8c: {  	s5 =	sshrl.u32 s25, $0x3;
	[sflag:s30] =	ssyncset.done $0x0  }
0x8d: {  	s5 =	sadd.s32 s2, s5;
	[sflag:s30] =	ssyncadd.s32 $0xFFFFE000  }
0x8e: {  	[hbm4b:s5+s3] =	stream.linear.scatter [tilespmem:s15], [sflag:$0x3], $0x8000, $0x38;
	[tilespmem:$0x16400] =	vst v63  }
0x8f: {  	_ =	swait.ge [sflag:s31], $0x8000  }
0x90: {  	[sflag:s31] =	ssyncset.done $0x0  }
0x91: {  	s5 =	sadd.s32 $0x800, s0;
	[sflag:s31] =	ssyncadd.s32 $0xFFFF8000  }
0x92: {  	[tilespmem:s15], [sflag:$0x1] =	stream.indirect.gather [hbm4b:s4+s14], $0x40, s5, s14, $0xb8;
	[tilespmem:$0x16400] =	vst v63  }
0x93: {  	s5 =	sadd.s32 $0x880, s0  }
0x94: {  	[tilespmem:s16], [sflag:$0x1] =	stream.indirect.gather [hbm4b:s4+s14], $0x40, s5, s14, $0xb8;
	[tilespmem:$0x16400] =	vst v63  }
0x95: {  	s5 =	sadd.s32 $0x900, s0  }
0x96: {  	[tilespmem:s18], [sflag:$0x1] =	stream.indirect.gather [hbm4b:s4+s14], $0x40, s5, s14, $0xb8;
	[tilespmem:$0x16400] =	vst v63  }
0x97: {  	s0 =	sadd.s32 $0x980, s0  }
0x98: {  	[tilespmem:s20], [sflag:$0x1] =	stream.indirect.gather [hbm4b:s4+s14], $0x40, s0, s14, $0xb8;
	[tilespmem:$0x16400] =	vst v63  }
0x99: {  	_ =	swait.ge [sflag:s21], $0x2000  }
0x9a: {  	[sflag:s21] =	ssyncset.done $0x0  }
0x9b: {  	[sflag:s21] =	ssyncadd.s32 $0xFFFFE000  }
0x9c: {  	_ =	swait.ge [sflag:s21], $0x2000  }
0x9d: {  	[sflag:s21] =	ssyncset.done $0x0  }
0x9e: {  	[sflag:s21] =	ssyncadd.s32 $0xFFFFE000  }
0x9f: {  	_ =	swait.ge [sflag:s21], $0x2000  }
.Ltmp0:
0xa0: {  	[sflag:s21] =	ssyncset.done $0x0;
	(pc) =	sbr.rel @p0 .LBB2_2-.Ltmp0, $4  }
0xa1: {  	[sflag:s21] =	ssyncadd.s32 $0xFFFFE000  }
0xa2: {  	_ =	swait.ge [sflag:s21], $0x2000  }
0xa3: {  	[sflag:s21] =	ssyncset.done $0x0  }
0xa4: {  	s28 =	sadd.s32 $0x2000, s28;
	s25 =	sadd.s32 $0x10000, s25;
	[sflag:s21] =	ssyncadd.s32 $0xFFFFE000  }
0xa5: {  	[hbm4b:s12+s3] =	stream.linear.scatter [tilespmem:s22], [sflag:$0x4], $0x8000, $0x38;
	[tilespmem:$0x16400] =	vst v63  }
0xa6: {  	_ =	swait.ge [sflag:s23], $0x8000  }
0xa7: {  	[sflag:s23] =	ssyncset.done $0x0  }
0xa8: {  	s0 =	simm.s32 $0x6200;
	[sflag:s23] =	ssyncadd.s32 $0xFFFF8000  }
0xa9: {  	[tilespmem:s22], [sflag:$0x2] =	stream.indirect.gather [hbm4b:s4+s14], $0x40, s0, s14, $0xb8;
	[tilespmem:$0x16400] =	vst v63  }
0xaa: {  	s19 =	simm.s32 $0x6280  }
0xab: {  	[tilespmem:s24], [sflag:$0x2] =	stream.indirect.gather [hbm4b:s4+s14], $0x40, s19, s14, $0xb8;
	[tilespmem:$0x16400] =	vst v63  }
0xac: {  	s25 =	simm.s32 $0x6300  }
0xad: {  	[tilespmem:s26], [sflag:$0x2] =	stream.indirect.gather [hbm4b:s4+s14], $0x40, s25, s14, $0xb8;
	[tilespmem:$0x16400] =	vst v63  }
0xae: {  	s28 =	simm.s32 $0x6380  }
0xaf: {  	[tilespmem:s29], [sflag:$0x2] =	stream.indirect.gather [hbm4b:s4+s14], $0x40, s28, s14, $0xb8;
	[tilespmem:$0x16400] =	vst v63  }
0xb0: {  	_ =	swait.ge [sflag:s30], $0x2000  }
0xb1: {  	[sflag:s30] =	ssyncset.done $0x0  }
0xb2: {  	[sflag:s30] =	ssyncadd.s32 $0xFFFFE000  }
0xb3: {  	_ =	swait.ge [sflag:s30], $0x2000  }
0xb4: {  	[sflag:s30] =	ssyncset.done $0x0  }
0xb5: {  	[sflag:s30] =	ssyncadd.s32 $0xFFFFE000  }
0xb6: {  	_ =	swait.ge [sflag:s30], $0x2000  }
0xb7: {  	[sflag:s30] =	ssyncset.done $0x0  }
0xb8: {  	[sflag:s30] =	ssyncadd.s32 $0xFFFFE000  }
0xb9: {  	_ =	swait.ge [sflag:s30], $0x2000  }
0xba: {  	[sflag:s30] =	ssyncset.done $0x0  }
0xbb: {  	[sflag:s30] =	ssyncadd.s32 $0xFFFFE000  }
0xbc: {  	[hbm4b:s9+s3] =	stream.linear.scatter [tilespmem:s15], [sflag:$0x3], $0x8000, $0x38;
	[tilespmem:$0x16400] =	vst v63  }
0xbd: {  	_ =	swait.ge [sflag:s21], $0x2000  }
0xbe: {  	[sflag:s21] =	ssyncset.done $0x0  }
0xbf: {  	[sflag:s21] =	ssyncadd.s32 $0xFFFFE000  }
0xc0: {  	_ =	swait.ge [sflag:s21], $0x2000  }
0xc1: {  	[sflag:s21] =	ssyncset.done $0x0  }
0xc2: {  	[sflag:s21] =	ssyncadd.s32 $0xFFFFE000  }
0xc3: {  	_ =	swait.ge [sflag:s21], $0x2000  }
0xc4: {  	[sflag:s21] =	ssyncset.done $0x0  }
0xc5: {  	[sflag:s21] =	ssyncadd.s32 $0xFFFFE000  }
0xc6: {  	_ =	swait.ge [sflag:s21], $0x2000  }
0xc7: {  	[sflag:s21] =	ssyncset.done $0x0  }
0xc8: {  	s17 =	sadd.s32 $0x1, s17;
	[sflag:s21] =	ssyncadd.s32 $0xFFFFE000  }
0xc9: {  	[hbm4b:s10+s3] =	stream.linear.scatter [tilespmem:s22], [sflag:$0x4], $0x8000, $0x38;
	[tilespmem:$0x16400] =	vst v63  }
0xca: {  	p0 =	sne.s32 s17, s6;
	_ =	swait.ge [sflag:s31], $0x8000  }
.Ltmp1:
0xcb: {  	[sflag:s31] =	ssyncset.done $0x0;
	(pc) =	sbr.rel @p0 .LBB2_1-.Ltmp1, $4  }
0xcc: {  	[sflag:s31] =	ssyncadd.s32 $0xFFFF8000  }
0xcd: {  	_ =	swait.ge [sflag:s23], $0x8000  }
0xce: {  	[sflag:s23] =	ssyncset.done $0x0  }
0xcf: {  	[sflag:s23] =	ssyncadd.s32 $0xFFFF8000  }
0xd0: {  	_ =	sfence.sel $0x180000  }
0xd1: {  	[bflag:$0x0] =	sbarrier.arrive $0xFFFF  }
0xd2: {  	_ =	strace $0x90000047  }
0xd3: {  	s0 =	stileid.u32;
	[bflag:$0x2] =	sbarrier.arrive $0xFFFF  }
0xd4: {  	p0 =	sne.s32 s0, $0x0;
	s0 =	rddreg [dreg:$0x2]  }
0xd5: {  	s0 =	sadd.s32 @!p0 $0x100000, s0  }
0xd6: {  	[sflag:s0] =	ssyncadd.tile.s32 @!p0 $0x1;
	_ =	shalt  }
.Lfunc_end2:
_tile_overlayer_lowered:
.L_overlay_start_2:
0xd7: {  	(tag) =	ssettag $0x2  }
0xd8: {  	s0 =	rddreg [dreg:$0x0];
	s2 =	stileid.u32  }
0xd9: {  	s1 =	rddreg [dreg:$0x1];
	p0 =	sne.s32 s2, $0x0  }
0xda: {  	s3 =	rddreg [dreg:$0x2];
	[bflag:$0x3] =	sbarrier.arrive $0xFFFF;
	s2 =	simm.s32 @!p0 $0x1C05  }
0xdb: {  	[timem:s3], [sflag:s2] =	dma.local @!p0 [hbm:s0], s1  }
0xdc: {  	s0 =	simm.s32 @!p0 $0x5  }
0xdd: {  	_ =	swait.ge @!p0 [sflag:s0], s1  }
0xde: {  	s1 =	ssub.s32 @!p0 $0x0, s1;
	[sflag:s0] =	ssyncset.done @!p0 $0x0  }
0xdf: {  	[sflag:s0] =	ssyncadd.s32 @!p0 s1  }
0xe0: {  	[bflag:$0x3] =	sbarrier.arrive $0xFFFF  }
0xe1: {  	_ =	shalt  }

// kernel: sparse-core-data-format-call.cloned.1.call-start
scs
called_computation_lowered:
.L_overlay_start_0:
0x0: {  	s2 =	sld [smem:$0x3FD9]  }
0x1: {  	s3 =	sld [smem:$0x3FFE];
	_ =	sdelay $0x1  }
0x2: {  	s1 =	srdreg.scid  }
0x3: {  	s0 =	sand.u32 $0x1, s1  }
0x4: {  	s18 =	sshll.u32 s0, $0xA;
	s2 =	sadd.s32 s3, s2  }
0x5: {  	s2 =	sadd.s32 s2, s18  }
0x6: {  	[smem:$0x3FC6] =	sst s2  }
0x7: {  	_ = 	snop  }
0x8: {  	s2 =	sld [smem:$0x3FD0];
	(tm) =	ssettm $0x1  }
0x9: {  	s19 =	sld [smem:$0x3FFB];
	_ =	sdelay $0x3  }
0xa: {  	_ =	strace s19  }
0xb: {  	s3 =	sld [smem:$0x3FFC];
	_ =	sdelay $0x3  }
0xc: {  	_ =	strace s3  }
0xd: {  	s3 =	sld [smem:$0x3FFD];
	_ =	sdelay $0x3  }
0xe: {  	_ =	strace s3  }
0xf: {  	_ =	strace $0x8FFFFFFF  }
0x10: {  	s20 =	sld [smem:$0x3FDB];
	_ =	sdelay $0x1  }
0x11: {  	s4 =	simm.s32 $_scs_section_size  }
0x12: {  	s5 =	simm.s32 $_size__tile_overlayer_lowered;
	s6 =	simm.s32 $_tile_overlayer_lowered  }
0x13: {  	s23 =	simm.s32 $0x1BFF;
	s22 =	sshll.u32 s6, $0x1;
	s3 =	sadd.s32 s4, s20  }
0x14: {  	s7 =	simm.s32 $0x0;
	s21 =	sshll.u32 s5, $0x1;
	s5 =	sadd.s32 s22, s3  }
0x15: {  	[timem:s7], [sflag:s23] =	dma.local [hbm:s5], s21  }
0x16: {  	_ =	swait.ge [sflag:s23], s21  }
0x17: {  	s4 =	ssub.s32 $0x0, s21;
	[sflag:s23] =	ssyncset.done $0x0  }
0x18: {  	[sflag:s23] =	ssyncadd.s32 s4;
	_ =	sdelay $0x1  }
0x19: {  	s24 =	simm.s32 $0x1B8B  }
0x1a: {  	_ =	swait.ge [sflag:s24], $0x1  }
0x1b: {  	[sflag:s24] =	ssyncset.done $0x0  }
0x1c: {  	s26 =	simm.s32 $0x1B8E;
	s25 =	sld [smem:$0x3FFE];
	[sflag:s24] =	ssyncadd.s32 $0xFFFFFFFF  }
0x1d: {  	s27 =	simm.s32 $execute0_lowered;
	[smem:$0x3FD2] =	sst s26  }
0x1e: {  	s5 =	sshll.u32 s27, $0x1;
	_ =	strace $0x80000049;
	[dreg:$0x1] =	wrdreg $0xFFFFFFFF  }
0x1f: {  	s28 =	simm.s32 $_size_execute0_lowered;
	s3 =	sadd.s32 s3, s5;
	[dreg:$0x0] =	wrdreg $0x0  }
0x20: {  	s5 =	sshll.u32 s28, $0x1;
	[dreg:$0x2] =	wrdreg s3  }
0x21: {  	[dreg:$0x3] =	wrdreg s5  }
0x22: {  	[dreg:$0x4] =	wrdreg $0xC0  }
0x23: {  	_ =	task [dreg:s7], $0x5FFFF  }
0x24: {  	[dreg:$0x1] =	wrdreg $0xFFFFFFFF  }
0x25: {  	[dreg:$0x0] =	wrdreg $0x60  }
0x26: {  	[dreg:$0x2] =	wrdreg s25  }
0x27: {  	[dreg:$0x3] =	wrdreg s2  }
0x28: {  	[dreg:$0x4] =	wrdreg $0x9  }
0x29: {  	_ =	task.clear_ibuf [dreg:s7], $0x5FFFF;
	_ =	strace $0x90000049  }
0x2a: {  	s29 =	simm.s32 $0x9;
	_ =	strace $0x8000004B  }
0x2b: {  	_ =	swait.ge [sflag:s29], $0x1  }
0x2c: {  	[sflag:s29] =	ssyncadd.s32 $0xFFFFFFFF  }
0x2d: {  	_ =	strace $0x9000004B  }
0x2e: {  	_ =	sfence  }
0x2f: {  	s30 =	sld [smem:$0x0];
	_ =	sdelay $0x2  }
0x30: {  	s31 =	sshll.u32 s1, $0xD;
	s1 =	sshrl.u32 s1, $0x2  }
0x31: {  	s3 =	sand.u32 $0x4000, s31;
	s1 =	sadd.s32 s1, s30  }
0x32: {  	s0 =	sor.u32 s3, s0;
	s1 =	sshll.u32 s1, $0x11  }
0x33: {  	s0 =	sor.u32 s1, s0  }
0x34: {  	s0 =	sadd.s32 $0x8F2B, s0  }
0x35: {  	[sflag:s0] =	ssyncadd.remote.s32 $0x1  }
0x36: {  	_ =	sfence.sel $0xFFFF  }
0x37: {  	[dreg:$0x0] =	wrdreg $0xFFFFFFFF;
	(pc) =	sbr.abs _section_cstart, $3  }
0x38: {  	[dreg:$0x1] =	wrdreg $0xFFFFFFFF  }
0x39: {  	_ =	task.clear_ibuf [dreg:s7], $0x2FFFF;
	_ =	strace $0x9FFFFFFF  }
0x3a: {  	(tm) =	ssettm $0x7FFFFFFF  }
0x3b: {  	_ =	shalt  }
tec
execute0_lowered:
.L_overlay_start_1:
0x0: {  	(tag) =	ssettag $0x1  }
0x1: {  	s0 =	srdreg.scid  }
0x2: {  	s1 =	sshll.u32 s0, $0x4  }
0x3: {  	s0 =	stileid.u32;
	s1 =	sand.u32 $0x10, s1  }
0x4: {  	s1 =	sor.u32 s0, s1  }
0x5: {  	s6 =	rddreg [dreg:$0x0];
	s4 =	simm.s32 $0x1;
	s2 =	sshll.u32 s1, $0x7  }
0x6: {  	s7 =	simm.s32 $0x2;
	s12 =	simm.s32 $0x0;
	s1 =	ssub.s32 $0x4000, s2  }
0x7: {  	s8 =	simm.s32 $0x20000;
	s13 =	simm.s32 $0x0;
	s3 =	sand.u32 $0xF80, s1  }
0x8: {  	s9 =	simm.s32 $0x0;
	s5 =	sshrl.u32 s1, $0xC;
	p0 =	sne.s32 s3, $0x0  }
.Ltmp0:
0x9: {  	s1 =	rddreg [dreg:$0x2];
	s4 =	simm.s32 @!p0 $0x0;
	(pc) =	sbr.rel .LBB1_1-.Ltmp0, $4  }
0xa: {  	s11 =	simm.s32 $0x0;
	s3 =	rddreg [dreg:$0x1];
	s5 =	sadd.s32 s4, s5  }
0xb: {  	_ =	strace $0x8000004A;
	s4 =	simm.s32 $0x1;
	s5 =	smul.u32 $0x32, s5  }
0xc: {  	s6 =	sadd.s32 $0xA00, s6;
	s10 =	smov.u32 s2;
	[sflag:s4] =	ssyncpa.u1 $0x0  }
0xd: {  	p0 =	por $0x0, $0x0;
	[sflag:s7] =	ssyncpa.u1 $0x0;
	s7 =	sor.u32 $0x1, s5  }
.LBB1_4:
0xe: {  	s16 =	sshll.u32 s13, $0x3;
	s17 =	sand.u32 $0x78, s13  }
0xf: {  	s30 =	sand.u32 $0x1F800, s13;
	s12 =	sshll.u32 s12, $0x11;
	s16 =	sand.u32 $0x3C00, s16  }
0x10: {  	[tilespmem:s15+$0x810 ss:$0x81] =	vst.msk $0xffff, v2;
	s31 =	sand.u32 $0x7, s13;
	s16 =	sor.u32 s17, s16;
	s17 =	sadd.s32 s3, s30  }
0x11: {  	[tilespmem:s15+$0x1020 ss:$0x81] =	vst.msk $0xffff, v0;
	s13 =	sshll.u32 s31, $0x12;
	s12 =	sadd.s32 s12, s17;
	s16 =	sshrl.u32 s16, $0x3  }
0x12: {  	[tilespmem:s15+$0x0 ss:$0x81] =	vst.msk $0xffff, v1;
	s13 =	sor.u32 $0x400, s13;
	s12 =	sadd.s32 s16, s12  }
0x13: {  	[hbm4b:s12+s13] =	stream.strided.scatter [tilespmem:s14], [sflag:$0x2], $0x2000, s8, s13, $0x20;
	[tilespmem:$0x8080] =	vst v63  }
.LBB1_5:
0x14: {  	s14 =	sadd.s32 $0x1, s9  }
0x15: {  	s12 =	sadd.s32 $0x1000, s10;
	s16 =	smov.u32 s10;
	p2 =	sgt.s32 s14, $0x31  }
0x16: {  	s16 =	smov.u32 @p2 s12  }
0x17: {  	s14 =	simm.s32 @p2 $0x0;
	p2 =	sgt.s32 s16, $0x3FFF  }
0x18: {  	s16 =	smov.u32 @p2 s2;
	p2 =	sne.s32 s11, s7  }
.Ltmp1:
0x19: {  	p1 =	slt.u32 s11, $0x2;
	(pc) =	sbr.rel @!p2 .LBB1_6-.Ltmp1, $4  }
0x1a: {  	s15 =	simm.s32 @!p1 $0x2  }
0x1b: {  	s13 =	smov.u32 s10;
	p0 =	por !p0, !p0;
	_ =	swait.ge @!p1 [sflag:s15], $0x2000  }
0x1c: {  	s12 =	smov.u32 s9;
	[sflag:s15] =	ssyncset.done @!p1 $0x0;
	s9 =	smov.u32 s14  }
0x1d: {  	s11 =	sadd.s32 $0x1, s11;
	[sflag:s15] =	ssyncadd.s32 @!p1 $0xFFFFE000;
	s10 =	smov.u32 s16  }
.LBB1_1:
0x1e: {  	p1 =	sge.u32 s11, s5  }
0x1f: {  	s14 =	sand.u32 @!p1 $0x1FFFFFF, s9  }
0x20: {  	s15 =	smulhi.u32 @!p1 $0x4924925, s14;
	_ =	sdelay $0x1  }
0x21: {  	s15 =	smul.u32 @!p1 $0x38, s15  }
0x22: {  	s16 =	sxor.u32 @!p1 $0xFFFFFFFF, s11;
	s17 =	smul.u32 @!p1 $0x380, s10  }
0x23: {  	s31 =	sadd.s32 $0xFFFFFFFF, s11;
	s16 =	sshll.u32 @!p1 s16, $0xD;
	s14 =	ssub.s32 @!p1 s14, s15  }
0x24: {  	s15 =	sand.u32 @!p1 $0x2000, s16;
	s16 =	sadd.s32 @!p1 s6, s17;
	s14 =	sshll.u32 @!p1 s14, $0x4  }
0x25: {  	s17 =	simm.s32 @!p1 $0x1C00;
	s14 =	sadd.s32 @!p1 s14, s16;
	s16 =	simm.s32 @!p1 $0x40  }
0x26: {  	[tilespmem:s15], [sflag:$0x1] =	stream.strided.gather @!p1 [hbm4b:s14+s16], $0x2000, s17, s16, $0x38;
	[tilespmem:$0x8080] =	vst v63  }
0x27: {  	p1 =	sge.u32 s31, s5  }
.Ltmp2:
0x28: {  	_ = 	snop;
	(pc) =	sbr.rel @p1 .LBB1_5-.Ltmp2, $1  }
0x29: {  	_ =	sdelay $0x3  }
0x2a: {  	s14 =	simm.s32 $0x1  }
0x2b: {  	_ =	swait.ge [sflag:s4], $0x2000;
	s14 =	simm.s32 @!p0 $0x0  }
0x2c: {  	[sflag:s4] =	ssyncset.done $0x0;
	s15 =	sshll.u32 s14, $0xD  }
0x2d: {  	[sflag:s4] =	ssyncadd.s32 $0xFFFFE000;
	s18 =	sor.u32 $0x20, s15  }
0x2e: {  	s14 =	smul.u32 $0x8100, s14;
	v3 =	vld [tilespmem:s18+$0x10]  }
0x2f: {  	s30 =	sand.u32 $0x1, s11;
	v2 =	vld [tilespmem:s18+$0xFFFFFFF0]  }
0x30: {  	s15 =	smul.u32 $0x8100, s30;
	s14 =	sshrl.u32 s14, $0x2;
	v0 =	vld [tilespmem:s18+$0x0]  }
0x31: {  	v1 =	vld [tilespmem:s18+$0xFFFFFFE0];
	s16 =	sor.u32 $0x4000, s14  }
0x32: {  	s31 =	sshrl.u32 s15, $0x2;
	s15 =	sadd.s32 $0x0, s16  }
0x33: {  	s17 =	simm.s32 $0x4;
	s18 =	sadd.s32 $0x40, s18;
	s14 =	sor.u32 $0x4000, s31;
	[tilespmem:s15+$0x1830 ss:$0x81] =	vst.msk $0xffff, v3  }
.LBB1_3:
0x34: {  	v3 =	vld [tilespmem:s18+$0x10];
	p1 =	sne.s32 s17, $0x1FC;
	[tilespmem:s15+$0x810 ss:$0x81] =	vst.msk $0xffff, v2;
	s19 =	smov.u32 s17;
	s17 =	sadd.s32 $0x4, s17  }
.Ltmp3:
0x35: {  	v2 =	vld [tilespmem:s18+$0xFFFFFFF0];
	[tilespmem:s15+$0x1020 ss:$0x81] =	vst.msk $0xffff, v0;
	(pc) =	sbr.rel @p1 .LBB1_3-.Ltmp3, $4  }
0x36: {  	v0 =	vld [tilespmem:s18+$0x0];
	[tilespmem:s15+$0x0 ss:$0x81] =	vst.msk $0xffff, v1  }
0x37: {  	s15 =	sshra.s32 s19, $0x2;
	v1 =	vld [tilespmem:s18+$0xFFFFFFE0]  }
0x38: {  	s15 =	sadd.s32 s15, s16  }
0x39: {  	s18 =	sadd.s32 $0x40, s18;
	[tilespmem:s15+$0x1830 ss:$0x81] =	vst.msk $0xffff, v3  }
.Ltmp4:
0x3a: {  	_ = 	snop;
	(pc) =	sbr.rel .LBB1_4-.Ltmp4, $1  }
0x3b: {  	_ =	sdelay $0x3  }
.LBB1_6:
0x3c: {  	_ =	sfence.sel $0x180000  }
0x3d: {  	s2 =	simm.s32 $0x1;
	[bflag:$0x0] =	sbarrier.arrive $0xFFFF  }
0x3e: {  	s31 =	simm.s32 $0x2;
	[sflag:s2] =	ssyncpa.u1 $0x1  }
0x3f: {  	[sflag:s31] =	ssyncpa.u1 $0x1  }
0x40: {  	p0 =	sne.s32 s0, $0x0;
	_ =	strace $0x9000004A  }
0x41: {  	s0 =	sadd.s32 @!p0 $0x100000, s1;
	[bflag:$0x2] =	sbarrier.arrive $0xFFFF  }
0x42: {  	[sflag:s0] =	ssyncadd.tile.s32 @!p0 $0x1;
	_ =	shalt  }
.Lfunc_end1:
_tile_overlayer_lowered:
.L_overlay_start_2:
0x43: {  	(tag) =	ssettag $0x2  }
0x44: {  	s0 =	rddreg [dreg:$0x0];
	s2 =	stileid.u32  }
0x45: {  	s1 =	rddreg [dreg:$0x1];
	p0 =	sne.s32 s2, $0x0  }
0x46: {  	s3 =	rddreg [dreg:$0x2];
	[bflag:$0x3] =	sbarrier.arrive $0xFFFF;
	s2 =	simm.s32 @!p0 $0x1C01  }
0x47: {  	[timem:s3], [sflag:s2] =	dma.local @!p0 [hbm:s0], s1  }
0x48: {  	s0 =	simm.s32 @!p0 $0x1  }
0x49: {  	_ =	swait.ge @!p0 [sflag:s0], s1  }
0x4a: {  	s1 =	ssub.s32 @!p0 $0x0, s1;
	[sflag:s0] =	ssyncset.done @!p0 $0x0  }
0x4b: {  	[sflag:s0] =	ssyncadd.s32 @!p0 s1  }
0x4c: {  	[bflag:$0x3] =	sbarrier.arrive $0xFFFF  }
0x4d: {  	_ =	shalt  }

</sc_bundles>
